<compile_context>
chip_gen: v7x
topology: tpu7x:2x2x1
jax: 0.10.2.dev20260603
libtpu: 0.0.44.dev20260713+nightly
codegen_flags: <defaults>
</compile_context>

<pallas_src>
import functools

import jax
import jax.numpy as jnp
from jax import lax
from jax.experimental import pallas as pl
from jax.experimental.pallas import tpu as pltpu
from jax.experimental.pallas import tpu_sc as plsc

K = 8192
D = 256
N = 8192
BATCH = 8
HW = 1024
BETA = 0.25

TB = 2048
KB = 2048
NT = N // TB
NK = K // KB

ROUND_AFTER = 4096 // KB - 1



def _argmin_body(x_ref, w_ref, idx_ref, bv_ref, bi_ref):
    k = pl.program_id(1)

    @pl.when(k == 0)
    def _():
        bv_ref[...] = jnp.full((TB,), jnp.inf, dtype=jnp.float32)
        bi_ref[...] = jnp.zeros((TB,), dtype=jnp.int32)

    x = x_ref[...]
    w = w_ref[...]
    a = jnp.sum(x * x, axis=1, keepdims=True)
    b = jnp.sum(w * w, axis=1)[None, :]
    c = lax.dot_general(x.astype(jnp.bfloat16), w.astype(jnp.bfloat16),
                        (((1,), (1,)), ((), ())),
                        preferred_element_type=jnp.float32)
    dist = (a + b) - 2.0 * c
    bmin = jnp.min(dist, axis=1)
    col = lax.broadcasted_iota(jnp.int32, dist.shape, 1)
    barg = jnp.min(jnp.where(dist == bmin[:, None], col, K), axis=1) + k * KB
    better = bmin < bv_ref[...]
    bi_ref[...] = jnp.where(better, barg, bi_ref[...])
    bv_ref[...] = jnp.where(better, bmin, bv_ref[...])

    @pl.when(k == ROUND_AFTER)
    def _():
        bv_ref[...] = bv_ref[...].astype(jnp.bfloat16).astype(jnp.float32)

    @pl.when(k == NK - 1)
    def _():
        idx_ref[...] = bi_ref[...]


_argmin = pl.pallas_call(
    _argmin_body,
    grid=(NT, NK),
    in_specs=[pl.BlockSpec((TB, D), lambda t, k: (t, 0)),
              pl.BlockSpec((KB, D), lambda t, k: (k, 0))],
    out_specs=pl.BlockSpec((TB,), lambda t, k: (t,)),
    out_shape=jax.ShapeDtypeStruct((N,), jnp.int32),
    scratch_shapes=[pltpu.VMEM((TB,), jnp.float32),
                    pltpu.VMEM((TB,), jnp.int32)],
)



_NC = 2
_NS = 16
NW = _NC * _NS
BPW = N // NW


HIST_PAD = K + 16


def _sc_body(w_hbm, idx_hbm, zq_hbm, cnt_hbm, idx_v, rows_v, hist_v, sem):
    wid = lax.axis_index("s") * _NC + lax.axis_index("c")
    base = wid * BPW
    pltpu.sync_copy(idx_hbm.at[pl.ds(base, BPW)], idx_v)
    pltpu.async_copy(w_hbm.at[idx_v], rows_v, sem).wait()
    pltpu.sync_copy(rows_v, zq_hbm.at[pl.ds(base, BPW)])

    def zero(i, carry):
        hist_v[pl.ds(i * 16, 16)] = jnp.zeros((16,), jnp.float32)
        return carry
    lax.fori_loop(0, HIST_PAD // 16, zero, 0)

    def bump(g, carry):
        one16 = jnp.where(lax.iota(jnp.int32, 16) == 0,
                          jnp.full((16,), 1.0, jnp.float32),
                          jnp.zeros((16,), jnp.float32))
        vec = idx_v[pl.ds(g * 16, 16)]
        for t in range(16):
            i = vec[t]
            hist_v[pl.ds(i, 16)] = hist_v[pl.ds(i, 16)] + one16
        return carry
    lax.fori_loop(0, BPW // 16, bump, 0)
    pltpu.sync_copy(hist_v.at[pl.ds(0, K)], cnt_hbm.at[wid])


@functools.cache
def _sc_gather_hist():
    return pl.kernel(
        _sc_body,
        out_type=[jax.ShapeDtypeStruct((N, D), jnp.float32),
                  jax.ShapeDtypeStruct((NW, K), jnp.float32)],
        mesh=plsc.VectorSubcoreMesh(core_axis_name="c", subcore_axis_name="s"),
        scratch_types=[pltpu.VMEM((BPW,), jnp.int32),
                       pltpu.VMEM((BPW, D), jnp.float32),
                       pltpu.VMEM((HIST_PAD,), jnp.float32),
                       pltpu.SemaphoreType.DMA],
    )



def _finish_body(zq_ref, x_ref, cnt_ref, z_ref, loss_ref, perp_ref, acc_ref):
    b = pl.program_id(0)

    @pl.when(b == 0)
    def _():
        acc_ref[0] = 0.0
        cnt = jnp.sum(cnt_ref[...], axis=0)
        p = cnt * (1.0 / N)
        ent = jnp.sum(p * jnp.log(p + 1e-10))
        perp_ref[...] = jnp.exp(-ent) * jnp.ones((1, 1), jnp.float32)

    zq = zq_ref[...]
    x = x_ref[...]
    d = zq - x
    z_ref[...] = (x + d).T[None]
    acc_ref[0] += jnp.sum(d * d)

    @pl.when(b == BATCH - 1)
    def _():
        loss_ref[...] = (acc_ref[0] * (BETA / (N * D))) * jnp.ones((1, 1), jnp.float32)


_finish = pl.pallas_call(
    _finish_body,
    grid=(BATCH,),
    in_specs=[pl.BlockSpec((HW, D), lambda b: (b, 0)),
              pl.BlockSpec((HW, D), lambda b: (b, 0)),
              pl.BlockSpec((NW, K), lambda b: (0, 0))],
    out_specs=[pl.BlockSpec((1, D, HW), lambda b: (b, 0, 0)),
               pl.BlockSpec((1, 1), lambda b: (0, 0)),
               pl.BlockSpec((1, 1), lambda b: (0, 0))],
    out_shape=[jax.ShapeDtypeStruct((BATCH, D, HW), jnp.float32),
               jax.ShapeDtypeStruct((1, 1), jnp.float32),
               jax.ShapeDtypeStruct((1, 1), jnp.float32)],
    scratch_shapes=[pltpu.SMEM((1,), jnp.float32)],
)


def kernel(inputs, weight):
    flat = jnp.transpose(inputs, (0, 2, 3, 1)).reshape(N, D)
    idx = _argmin(flat, weight)
    zq, cnt = _sc_gather_hist()(weight, idx)
    z, loss, perp = _finish(zq, flat, cnt)
    z_out = z.reshape(BATCH, D, 32, 32)
    return (z_out, loss[0, 0], perp[0, 0], idx[:, None])

# --- scband reference (transcript-rebuilt; emitter-appended) ---
"""Pipeline reference for scband-codebook-ema-9560597201279 (READ-ONLY COPY).

The authoritative reference and input builder live on the scoring server;
editing this copy changes nothing except your own understanding.
"""

import jax, jax.numpy as jnp
import numpy as np

NUM_EMBEDDINGS_K = 8192
LATENT_DIM_D = 256
BETA = 0.25


def setup_inputs(seed: int = 0) -> dict:
    key = jax.random.key(seed)
    k1, k2 = jax.random.split(key)
    inputs = jax.random.normal(k1, (8, LATENT_DIM_D, 32, 32), dtype=jnp.float32)
    # latent_space.weight initialized with normal_() in the torch module
    weight = jax.random.normal(k2, (NUM_EMBEDDINGS_K, LATENT_DIM_D), dtype=jnp.float32)
    return {"inputs": inputs, "weight": weight}


def reference(inputs, weight):
    # eval-mode forward (EMA buffer updates only occur in training mode)
    x = jnp.transpose(inputs, (0, 2, 3, 1))  # BCHW -> BHWC
    input_shape = x.shape
    flat = x.reshape(-1, LATENT_DIM_D)
    distances = (jnp.sum(flat ** 2, axis=1, keepdims=True)
                 + jnp.sum(weight ** 2, axis=1)
                 - 2.0 * jnp.matmul(flat, weight.T))
    encoding_indices = jnp.argmin(distances, axis=1)
    encodings = jax.nn.one_hot(encoding_indices, NUM_EMBEDDINGS_K, dtype=flat.dtype)
    z_quantized = jnp.matmul(encodings, weight).reshape(input_shape)
    commitment_loss = jnp.mean((z_quantized - x) ** 2)
    loss = BETA * commitment_loss
    z_q_st = x + jax.lax.stop_gradient(z_quantized - x)
    avg_probs = jnp.mean(encodings, axis=0)
    perplexity = jnp.exp(-jnp.sum(avg_probs * jnp.log(avg_probs + 1e-10)))
    z_out = jnp.transpose(z_q_st, (0, 3, 1, 2))  # BHWC -> BCHW
    return (z_out, loss, perplexity, encoding_indices[:, None])

if __name__ == "__main__":
    import jax
    _d = setup_inputs()
    print(jax.jit(kernel)(*tuple(_d.values())))

</pallas_src>

<mosaic_0001>
#map = affine_map<(d0, d1) -> (0, 0)>
#map1 = affine_map<(d0, d1) -> (0)>
module attributes {stable_mosaic.version = 14 : i64} {
  func.func @_sc_body(%arg0: i32, %arg1: i32, %arg2: memref<8192x256xf32, #tpu.memory_space<hbm>>, %arg3: memref<8192xi32, #tpu.memory_space<hbm>>, %arg4: memref<8192x256xf32, #tpu.memory_space<hbm>>, %arg5: memref<32x8192xf32, #tpu.memory_space<hbm>>, %arg6: memref<256xi32, #tpu.memory_space<vmem>>, %arg7: memref<256x256xf32, #tpu.memory_space<vmem>>, %arg8: memref<8208xf32, #tpu.memory_space<vmem>>, %arg9: memref<!tpu.dma_semaphore, #tpu.memory_space<semaphore_mem>>) attributes {dimension_semantics = [#tpu.dimension_semantics<core_parallel>, #tpu.dimension_semantics<subcore_parallel>], iteration_bounds = array<i64: 2, 16>, scalar_prefetch = 0 : i64, scratch_operands = 4 : i64, tpu.core_type = #tpu.core_type<sc_vector_subcore>, window_params = [{transform_indices = #map}, {transform_indices = #map1}, {transform_indices = #map}, {transform_indices = #map}]} {
    %mul3A = arith.constant 2 : i32
    %mul3A_0 = arith.muli %arg1, %mul3A : i32
    %add3A = arith.addi %mul3A_0, %arg0 : i32
    %mul3A_1 = arith.constant 256 : i32
    %mul3A_2 = arith.muli %add3A, %mul3A_1 : i32
    "tpu.region"() ({
      %run_scoped3A = tpu.sem_alloc : memref<!tpu.dma_semaphore, #tpu.memory_space<semaphore_mem>>
      %dma_start3A_18 = tpu.memref_slice %arg3[%mul3A_2] : memref<8192xi32, #tpu.memory_space<hbm>> -> memref<256xi32, #tpu.memory_space<hbm>>
      %dma_start3A_19 = tpu.memref_slice %arg3[%mul3A_2] : memref<8192xi32, #tpu.memory_space<hbm>> -> memref<256xi32, #tpu.memory_space<hbm>>
      tpu.enqueue_dma source(%dma_start3A_19 : memref<256xi32, #tpu.memory_space<hbm>>) target(%arg6 : memref<256xi32, #tpu.memory_space<vmem>>) target_semaphore(%run_scoped3A : memref<!tpu.dma_semaphore, #tpu.memory_space<semaphore_mem>>)
      %dma_wait3A_20 = tpu.memref_slice %arg3[%mul3A_2] : memref<8192xi32, #tpu.memory_space<hbm>> -> memref<256xi32, #tpu.memory_space<hbm>>
      %dma_wait3A_21 = tpu.memref_slice %arg3[%mul3A_2] : memref<8192xi32, #tpu.memory_space<hbm>> -> memref<256xi32, #tpu.memory_space<hbm>>
      tpu.wait_dma2 semaphore(%run_scoped3A : memref<!tpu.dma_semaphore, #tpu.memory_space<semaphore_mem>>) src(%dma_wait3A_21 : memref<256xi32, #tpu.memory_space<hbm>>) dst(%arg6 : memref<256xi32, #tpu.memory_space<vmem>>)
      tpu.yield
    }) : () -> ()
    %dma_start3A = arith.constant 0 : i32
    %dma_start3A_3 = arith.constant 0 : i32
    %dma_start3A_4 = tpu.memref_slice %arg2[%dma_start3A, %dma_start3A_3] : memref<8192x256xf32, #tpu.memory_space<hbm>> -> memref<8192x256xf32, #tpu.memory_space<hbm>>
    tpu.enqueue_indirect_dma source(%dma_start3A_4 : memref<8192x256xf32, #tpu.memory_space<hbm>>) target(%arg7 : memref<256x256xf32, #tpu.memory_space<vmem>>) offsets(%arg6 : memref<256xi32, #tpu.memory_space<vmem>>) semaphore(%arg9 : memref<!tpu.dma_semaphore, #tpu.memory_space<semaphore_mem>>)
    %dma_wait3A = arith.constant 0 : i32
    %dma_wait3A_5 = arith.constant 0 : i32
    %dma_wait3A_6 = tpu.memref_slice %arg2[%dma_wait3A, %dma_wait3A_5] : memref<8192x256xf32, #tpu.memory_space<hbm>> -> memref<8192x256xf32, #tpu.memory_space<hbm>>
    tpu.wait_indirect_dma semaphore(%arg9 : memref<!tpu.dma_semaphore, #tpu.memory_space<semaphore_mem>>) src(%dma_wait3A_6 : memref<8192x256xf32, #tpu.memory_space<hbm>>) dst(%arg7 : memref<256x256xf32, #tpu.memory_space<vmem>>)
    "tpu.region"() ({
      %run_scoped3A = tpu.sem_alloc : memref<!tpu.dma_semaphore, #tpu.memory_space<semaphore_mem>>
      %dma_start3A_18 = arith.constant 0 : i32
      %dma_start3A_19 = tpu.memref_slice %arg4[%mul3A_2, %dma_start3A_18] : memref<8192x256xf32, #tpu.memory_space<hbm>> -> memref<256x256xf32, #tpu.memory_space<hbm>>
      %dma_start3A_20 = arith.constant 0 : i32
      %dma_start3A_21 = tpu.memref_slice %arg4[%mul3A_2, %dma_start3A_20] : memref<8192x256xf32, #tpu.memory_space<hbm>> -> memref<256x256xf32, #tpu.memory_space<hbm>>
      tpu.enqueue_dma source(%arg7 : memref<256x256xf32, #tpu.memory_space<vmem>>) target(%dma_start3A_21 : memref<256x256xf32, #tpu.memory_space<hbm>>) target_semaphore(%run_scoped3A : memref<!tpu.dma_semaphore, #tpu.memory_space<semaphore_mem>>)
      %dma_wait3A_22 = arith.constant 0 : i32
      %dma_wait3A_23 = tpu.memref_slice %arg4[%mul3A_2, %dma_wait3A_22] : memref<8192x256xf32, #tpu.memory_space<hbm>> -> memref<256x256xf32, #tpu.memory_space<hbm>>
      %dma_wait3A_24 = arith.constant 0 : i32
      %dma_wait3A_25 = tpu.memref_slice %arg4[%mul3A_2, %dma_wait3A_24] : memref<8192x256xf32, #tpu.memory_space<hbm>> -> memref<256x256xf32, #tpu.memory_space<hbm>>
      tpu.wait_dma2 semaphore(%run_scoped3A : memref<!tpu.dma_semaphore, #tpu.memory_space<semaphore_mem>>) src(%arg7 : memref<256x256xf32, #tpu.memory_space<vmem>>) dst(%dma_wait3A_25 : memref<256x256xf32, #tpu.memory_space<hbm>>)
      tpu.yield
    }) : () -> ()
    %scan3A = arith.constant 0 : i32
    %scan3A_7 = arith.constant 0 : i32
    %scan3A_8 = arith.constant 513 : i32
    %scan3A_9 = arith.addi %scan3A_7, %scan3A_8 : i32
    %scan3A_10 = arith.constant 1 : i32
    scf.for %scan3A_18 = %scan3A_7 to %scan3A_9 step %scan3A_10  : i32 {
      %broadcast_in_dim3A = arith.constant 0.000000e+00 : f32
      %broadcast_in_dim3A_19 = vector.broadcast %broadcast_in_dim3A : f32 to vector<16xf32>
      %mul3A_20 = arith.constant 16 : i32
      %mul3A_21 = arith.muli %scan3A_18, %mul3A_20 : i32
      %swap3A = arith.index_cast %mul3A_21 : i32 to index
      %swap3A_22 = tpu.vector_load %arg8[%swap3A] {strides = array<i32>} : memref<8208xf32, #tpu.memory_space<vmem>>, vector<16xf32>,
      %swap3A_23 = vector.shape_cast %swap3A_22 : vector<16xf32> to vector<16xf32>
      %swap3A_24 = vector.shape_cast %broadcast_in_dim3A_19 : vector<16xf32> to vector<16xf32>
      tpu.vector_store %arg8[%swap3A], %swap3A_24 {strides = array<i32>} : memref<8208xf32, #tpu.memory_space<vmem>>, vector<16xf32>,
    }
    %scan3A_11 = arith.constant 513 : i32
    %scan3A_12 = arith.constant 0 : i32
    %scan3A_13 = arith.constant 0 : i32
    %scan3A_14 = arith.constant 16 : i32
    %scan3A_15 = arith.addi %scan3A_13, %scan3A_14 : i32
    %scan3A_16 = arith.constant 1 : i32
    scf.for %scan3A_18 = %scan3A_13 to %scan3A_15 step %scan3A_16  : i32 {
      %iota3A = tpu.iota {dimensions = array<i32: 0>} : vector<16xi32>
      %eq3A = arith.constant 0 : i32
      %eq3A_19 = vector.broadcast %eq3A : i32 to vector<16xi32>
      %eq3A_20 = arith.cmpi eq, %iota3A, %eq3A_19 : vector<16xi32>
      %broadcast_in_dim3A = arith.constant 1.000000e+00 : f32
      %broadcast_in_dim3A_21 = vector.broadcast %broadcast_in_dim3A : f32 to vector<16xf32>
      %broadcast_in_dim3A_22 = arith.constant 0.000000e+00 : f32
      %broadcast_in_dim3A_23 = vector.broadcast %broadcast_in_dim3A_22 : f32 to vector<16xf32>
      %select_n3A = arith.select %eq3A_20, %broadcast_in_dim3A_21, %broadcast_in_dim3A_23 : vector<16xi1>, vector<16xf32>
      %mul3A_24 = arith.constant 16 : i32
      %mul3A_25 = arith.muli %scan3A_18, %mul3A_24 : i32
      %get3A = arith.index_cast %mul3A_25 : i32 to index
      %get3A_26 = tpu.vector_load %arg6[%get3A] {strides = array<i32>} : memref<256xi32, #tpu.memory_space<vmem>>, vector<16xi32>,
      %get3A_27 = vector.shape_cast %get3A_26 : vector<16xi32> to vector<16xi32>
      %slice3A = vector.extract_strided_slice %get3A_27 {offsets = [0], sizes = [1], strides = [1]} : vector<16xi32> to vector<1xi32>
      %squeeze3A = vector.extract %slice3A[0] : i32 from vector<1xi32>
      %get3A_28 = arith.index_cast %squeeze3A : i32 to index
      %get3A_29 = tpu.vector_load %arg8[%get3A_28] {strides = array<i32>} : memref<8208xf32, #tpu.memory_space<vmem>>, vector<16xf32>,
      %get3A_30 = vector.shape_cast %get3A_29 : vector<16xf32> to vector<16xf32>
      %add3A_31 = arith.addf %get3A_30, %select_n3A : vector<16xf32>
      %swap3A = arith.index_cast %squeeze3A : i32 to index
      %swap3A_32 = tpu.vector_load %arg8[%swap3A] {strides = array<i32>} : memref<8208xf32, #tpu.memory_space<vmem>>, vector<16xf32>,
      %swap3A_33 = vector.shape_cast %swap3A_32 : vector<16xf32> to vector<16xf32>
      %swap3A_34 = vector.shape_cast %add3A_31 : vector<16xf32> to vector<16xf32>
      tpu.vector_store %arg8[%swap3A], %swap3A_34 {strides = array<i32>} : memref<8208xf32, #tpu.memory_space<vmem>>, vector<16xf32>,
      %slice3A_35 = vector.extract_strided_slice %get3A_27 {offsets = [1], sizes = [1], strides = [1]} : vector<16xi32> to vector<1xi32>
      %squeeze3A_36 = vector.extract %slice3A_35[0] : i32 from vector<1xi32>
      %get3A_37 = arith.index_cast %squeeze3A_36 : i32 to index
      %get3A_38 = tpu.vector_load %arg8[%get3A_37] {strides = array<i32>} : memref<8208xf32, #tpu.memory_space<vmem>>, vector<16xf32>,
      %get3A_39 = vector.shape_cast %get3A_38 : vector<16xf32> to vector<16xf32>
      %add3A_40 = arith.addf %get3A_39, %select_n3A : vector<16xf32>
      %swap3A_41 = arith.index_cast %squeeze3A_36 : i32 to index
      %swap3A_42 = tpu.vector_load %arg8[%swap3A_41] {strides = array<i32>} : memref<8208xf32, #tpu.memory_space<vmem>>, vector<16xf32>,
      %swap3A_43 = vector.shape_cast %swap3A_42 : vector<16xf32> to vector<16xf32>
      %swap3A_44 = vector.shape_cast %add3A_40 : vector<16xf32> to vector<16xf32>
      tpu.vector_store %arg8[%swap3A_41], %swap3A_44 {strides = array<i32>} : memref<8208xf32, #tpu.memory_space<vmem>>, vector<16xf32>,
      %slice3A_45 = vector.extract_strided_slice %get3A_27 {offsets = [2], sizes = [1], strides = [1]} : vector<16xi32> to vector<1xi32>
      %squeeze3A_46 = vector.extract %slice3A_45[0] : i32 from vector<1xi32>
      %get3A_47 = arith.index_cast %squeeze3A_46 : i32 to index
      %get3A_48 = tpu.vector_load %arg8[%get3A_47] {strides = array<i32>} : memref<8208xf32, #tpu.memory_space<vmem>>, vector<16xf32>,
      %get3A_49 = vector.shape_cast %get3A_48 : vector<16xf32> to vector<16xf32>
      %add3A_50 = arith.addf %get3A_49, %select_n3A : vector<16xf32>
      %swap3A_51 = arith.index_cast %squeeze3A_46 : i32 to index
      %swap3A_52 = tpu.vector_load %arg8[%swap3A_51] {strides = array<i32>} : memref<8208xf32, #tpu.memory_space<vmem>>, vector<16xf32>,
      %swap3A_53 = vector.shape_cast %swap3A_52 : vector<16xf32> to vector<16xf32>
      %swap3A_54 = vector.shape_cast %add3A_50 : vector<16xf32> to vector<16xf32>
      tpu.vector_store %arg8[%swap3A_51], %swap3A_54 {strides = array<i32>} : memref<8208xf32, #tpu.memory_space<vmem>>, vector<16xf32>,
      %slice3A_55 = vector.extract_strided_slice %get3A_27 {offsets = [3], sizes = [1], strides = [1]} : vector<16xi32> to vector<1xi32>
      %squeeze3A_56 = vector.extract %slice3A_55[0] : i32 from vector<1xi32>
      %get3A_57 = arith.index_cast %squeeze3A_56 : i32 to index
      %get3A_58 = tpu.vector_load %arg8[%get3A_57] {strides = array<i32>} : memref<8208xf32, #tpu.memory_space<vmem>>, vector<16xf32>,
      %get3A_59 = vector.shape_cast %get3A_58 : vector<16xf32> to vector<16xf32>
      %add3A_60 = arith.addf %get3A_59, %select_n3A : vector<16xf32>
      %swap3A_61 = arith.index_cast %squeeze3A_56 : i32 to index
      %swap3A_62 = tpu.vector_load %arg8[%swap3A_61] {strides = array<i32>} : memref<8208xf32, #tpu.memory_space<vmem>>, vector<16xf32>,
      %swap3A_63 = vector.shape_cast %swap3A_62 : vector<16xf32> to vector<16xf32>
      %swap3A_64 = vector.shape_cast %add3A_60 : vector<16xf32> to vector<16xf32>
      tpu.vector_store %arg8[%swap3A_61], %swap3A_64 {strides = array<i32>} : memref<8208xf32, #tpu.memory_space<vmem>>, vector<16xf32>,
      %slice3A_65 = vector.extract_strided_slice %get3A_27 {offsets = [4], sizes = [1], strides = [1]} : vector<16xi32> to vector<1xi32>
      %squeeze3A_66 = vector.extract %slice3A_65[0] : i32 from vector<1xi32>
      %get3A_67 = arith.index_cast %squeeze3A_66 : i32 to index
      %get3A_68 = tpu.vector_load %arg8[%get3A_67] {strides = array<i32>} : memref<8208xf32, #tpu.memory_space<vmem>>, vector<16xf32>,
      %get3A_69 = vector.shape_cast %get3A_68 : vector<16xf32> to vector<16xf32>
      %add3A_70 = arith.addf %get3A_69, %select_n3A : vector<16xf32>
      %swap3A_71 = arith.index_cast %squeeze3A_66 : i32 to index
      %swap3A_72 = tpu.vector_load %arg8[%swap3A_71] {strides = array<i32>} : memref<8208xf32, #tpu.memory_space<vmem>>, vector<16xf32>,
      %swap3A_73 = vector.shape_cast %swap3A_72 : vector<16xf32> to vector<16xf32>
      %swap3A_74 = vector.shape_cast %add3A_70 : vector<16xf32> to vector<16xf32>
      tpu.vector_store %arg8[%swap3A_71], %swap3A_74 {strides = array<i32>} : memref<8208xf32, #tpu.memory_space<vmem>>, vector<16xf32>,
      %slice3A_75 = vector.extract_strided_slice %get3A_27 {offsets = [5], sizes = [1], strides = [1]} : vector<16xi32> to vector<1xi32>
      %squeeze3A_76 = vector.extract %slice3A_75[0] : i32 from vector<1xi32>
      %get3A_77 = arith.index_cast %squeeze3A_76 : i32 to index
      %get3A_78 = tpu.vector_load %arg8[%get3A_77] {strides = array<i32>} : memref<8208xf32, #tpu.memory_space<vmem>>, vector<16xf32>,
      %get3A_79 = vector.shape_cast %get3A_78 : vector<16xf32> to vector<16xf32>
      %add3A_80 = arith.addf %get3A_79, %select_n3A : vector<16xf32>
      %swap3A_81 = arith.index_cast %squeeze3A_76 : i32 to index
      %swap3A_82 = tpu.vector_load %arg8[%swap3A_81] {strides = array<i32>} : memref<8208xf32, #tpu.memory_space<vmem>>, vector<16xf32>,
      %swap3A_83 = vector.shape_cast %swap3A_82 : vector<16xf32> to vector<16xf32>
      %swap3A_84 = vector.shape_cast %add3A_80 : vector<16xf32> to vector<16xf32>
      tpu.vector_store %arg8[%swap3A_81], %swap3A_84 {strides = array<i32>} : memref<8208xf32, #tpu.memory_space<vmem>>, vector<16xf32>,
      %slice3A_85 = vector.extract_strided_slice %get3A_27 {offsets = [6], sizes = [1], strides = [1]} : vector<16xi32> to vector<1xi32>
      %squeeze3A_86 = vector.extract %slice3A_85[0] : i32 from vector<1xi32>
      %get3A_87 = arith.index_cast %squeeze3A_86 : i32 to index
      %get3A_88 = tpu.vector_load %arg8[%get3A_87] {strides = array<i32>} : memref<8208xf32, #tpu.memory_space<vmem>>, vector<16xf32>,
      %get3A_89 = vector.shape_cast %get3A_88 : vector<16xf32> to vector<16xf32>
      %add3A_90 = arith.addf %get3A_89, %select_n3A : vector<16xf32>
      %swap3A_91 = arith.index_cast %squeeze3A_86 : i32 to index
      %swap3A_92 = tpu.vector_load %arg8[%swap3A_91] {strides = array<i32>} : memref<8208xf32, #tpu.memory_space<vmem>>, vector<16xf32>,
      %swap3A_93 = vector.shape_cast %swap3A_92 : vector<16xf32> to vector<16xf32>
      %swap3A_94 = vector.shape_cast %add3A_90 : vector<16xf32> to vector<16xf32>
      tpu.vector_store %arg8[%swap3A_91], %swap3A_94 {strides = array<i32>} : memref<8208xf32, #tpu.memory_space<vmem>>, vector<16xf32>,
      %slice3A_95 = vector.extract_strided_slice %get3A_27 {offsets = [7], sizes = [1], strides = [1]} : vector<16xi32> to vector<1xi32>
      %squeeze3A_96 = vector.extract %slice3A_95[0] : i32 from vector<1xi32>
      %get3A_97 = arith.index_cast %squeeze3A_96 : i32 to index
      %get3A_98 = tpu.vector_load %arg8[%get3A_97] {strides = array<i32>} : memref<8208xf32, #tpu.memory_space<vmem>>, vector<16xf32>,
      %get3A_99 = vector.shape_cast %get3A_98 : vector<16xf32> to vector<16xf32>
      %add3A_100 = arith.addf %get3A_99, %select_n3A : vector<16xf32>
      %swap3A_101 = arith.index_cast %squeeze3A_96 : i32 to index
      %swap3A_102 = tpu.vector_load %arg8[%swap3A_101] {strides = array<i32>} : memref<8208xf32, #tpu.memory_space<vmem>>, vector<16xf32>,
      %swap3A_103 = vector.shape_cast %swap3A_102 : vector<16xf32> to vector<16xf32>
      %swap3A_104 = vector.shape_cast %add3A_100 : vector<16xf32> to vector<16xf32>
      tpu.vector_store %arg8[%swap3A_101], %swap3A_104 {strides = array<i32>} : memref<8208xf32, #tpu.memory_space<vmem>>, vector<16xf32>,
      %slice3A_105 = vector.extract_strided_slice %get3A_27 {offsets = [8], sizes = [1], strides = [1]} : vector<16xi32> to vector<1xi32>
      %squeeze3A_106 = vector.extract %slice3A_105[0] : i32 from vector<1xi32>
      %get3A_107 = arith.index_cast %squeeze3A_106 : i32 to index
      %get3A_108 = tpu.vector_load %arg8[%get3A_107] {strides = array<i32>} : memref<8208xf32, #tpu.memory_space<vmem>>, vector<16xf32>,
      %get3A_109 = vector.shape_cast %get3A_108 : vector<16xf32> to vector<16xf32>
      %add3A_110 = arith.addf %get3A_109, %select_n3A : vector<16xf32>
      %swap3A_111 = arith.index_cast %squeeze3A_106 : i32 to index
      %swap3A_112 = tpu.vector_load %arg8[%swap3A_111] {strides = array<i32>} : memref<8208xf32, #tpu.memory_space<vmem>>, vector<16xf32>,
      %swap3A_113 = vector.shape_cast %swap3A_112 : vector<16xf32> to vector<16xf32>
      %swap3A_114 = vector.shape_cast %add3A_110 : vector<16xf32> to vector<16xf32>
      tpu.vector_store %arg8[%swap3A_111], %swap3A_114 {strides = array<i32>} : memref<8208xf32, #tpu.memory_space<vmem>>, vector<16xf32>,
      %slice3A_115 = vector.extract_strided_slice %get3A_27 {offsets = [9], sizes = [1], strides = [1]} : vector<16xi32> to vector<1xi32>
      %squeeze3A_116 = vector.extract %slice3A_115[0] : i32 from vector<1xi32>
      %get3A_117 = arith.index_cast %squeeze3A_116 : i32 to index
      %get3A_118 = tpu.vector_load %arg8[%get3A_117] {strides = array<i32>} : memref<8208xf32, #tpu.memory_space<vmem>>, vector<16xf32>,
      %get3A_119 = vector.shape_cast %get3A_118 : vector<16xf32> to vector<16xf32>
      %add3A_120 = arith.addf %get3A_119, %select_n3A : vector<16xf32>
      %swap3A_121 = arith.index_cast %squeeze3A_116 : i32 to index
      %swap3A_122 = tpu.vector_load %arg8[%swap3A_121] {strides = array<i32>} : memref<8208xf32, #tpu.memory_space<vmem>>, vector<16xf32>,
      %swap3A_123 = vector.shape_cast %swap3A_122 : vector<16xf32> to vector<16xf32>
      %swap3A_124 = vector.shape_cast %add3A_120 : vector<16xf32> to vector<16xf32>
      tpu.vector_store %arg8[%swap3A_121], %swap3A_124 {strides = array<i32>} : memref<8208xf32, #tpu.memory_space<vmem>>, vector<16xf32>,
      %slice3A_125 = vector.extract_strided_slice %get3A_27 {offsets = [10], sizes = [1], strides = [1]} : vector<16xi32> to vector<1xi32>
      %squeeze3A_126 = vector.extract %slice3A_125[0] : i32 from vector<1xi32>
      %get3A_127 = arith.index_cast %squeeze3A_126 : i32 to index
      %get3A_128 = tpu.vector_load %arg8[%get3A_127] {strides = array<i32>} : memref<8208xf32, #tpu.memory_space<vmem>>, vector<16xf32>,
      %get3A_129 = vector.shape_cast %get3A_128 : vector<16xf32> to vector<16xf32>
      %add3A_130 = arith.addf %get3A_129, %select_n3A : vector<16xf32>
      %swap3A_131 = arith.index_cast %squeeze3A_126 : i32 to index
      %swap3A_132 = tpu.vector_load %arg8[%swap3A_131] {strides = array<i32>} : memref<8208xf32, #tpu.memory_space<vmem>>, vector<16xf32>,
      %swap3A_133 = vector.shape_cast %swap3A_132 : vector<16xf32> to vector<16xf32>
      %swap3A_134 = vector.shape_cast %add3A_130 : vector<16xf32> to vector<16xf32>
      tpu.vector_store %arg8[%swap3A_131], %swap3A_134 {strides = array<i32>} : memref<8208xf32, #tpu.memory_space<vmem>>, vector<16xf32>,
      %slice3A_135 = vector.extract_strided_slice %get3A_27 {offsets = [11], sizes = [1], strides = [1]} : vector<16xi32> to vector<1xi32>
      %squeeze3A_136 = vector.extract %slice3A_135[0] : i32 from vector<1xi32>
      %get3A_137 = arith.index_cast %squeeze3A_136 : i32 to index
      %get3A_138 = tpu.vector_load %arg8[%get3A_137] {strides = array<i32>} : memref<8208xf32, #tpu.memory_space<vmem>>, vector<16xf32>,
      %get3A_139 = vector.shape_cast %get3A_138 : vector<16xf32> to vector<16xf32>
      %add3A_140 = arith.addf %get3A_139, %select_n3A : vector<16xf32>
      %swap3A_141 = arith.index_cast %squeeze3A_136 : i32 to index
      %swap3A_142 = tpu.vector_load %arg8[%swap3A_141] {strides = array<i32>} : memref<8208xf32, #tpu.memory_space<vmem>>, vector<16xf32>,
      %swap3A_143 = vector.shape_cast %swap3A_142 : vector<16xf32> to vector<16xf32>
      %swap3A_144 = vector.shape_cast %add3A_140 : vector<16xf32> to vector<16xf32>
      tpu.vector_store %arg8[%swap3A_141], %swap3A_144 {strides = array<i32>} : memref<8208xf32, #tpu.memory_space<vmem>>, vector<16xf32>,
      %slice3A_145 = vector.extract_strided_slice %get3A_27 {offsets = [12], sizes = [1], strides = [1]} : vector<16xi32> to vector<1xi32>
      %squeeze3A_146 = vector.extract %slice3A_145[0] : i32 from vector<1xi32>
      %get3A_147 = arith.index_cast %squeeze3A_146 : i32 to index
      %get3A_148 = tpu.vector_load %arg8[%get3A_147] {strides = array<i32>} : memref<8208xf32, #tpu.memory_space<vmem>>, vector<16xf32>,
      %get3A_149 = vector.shape_cast %get3A_148 : vector<16xf32> to vector<16xf32>
      %add3A_150 = arith.addf %get3A_149, %select_n3A : vector<16xf32>
      %swap3A_151 = arith.index_cast %squeeze3A_146 : i32 to index
      %swap3A_152 = tpu.vector_load %arg8[%swap3A_151] {strides = array<i32>} : memref<8208xf32, #tpu.memory_space<vmem>>, vector<16xf32>,
      %swap3A_153 = vector.shape_cast %swap3A_152 : vector<16xf32> to vector<16xf32>
      %swap3A_154 = vector.shape_cast %add3A_150 : vector<16xf32> to vector<16xf32>
      tpu.vector_store %arg8[%swap3A_151], %swap3A_154 {strides = array<i32>} : memref<8208xf32, #tpu.memory_space<vmem>>, vector<16xf32>,
      %slice3A_155 = vector.extract_strided_slice %get3A_27 {offsets = [13], sizes = [1], strides = [1]} : vector<16xi32> to vector<1xi32>
      %squeeze3A_156 = vector.extract %slice3A_155[0] : i32 from vector<1xi32>
      %get3A_157 = arith.index_cast %squeeze3A_156 : i32 to index
      %get3A_158 = tpu.vector_load %arg8[%get3A_157] {strides = array<i32>} : memref<8208xf32, #tpu.memory_space<vmem>>, vector<16xf32>,
      %get3A_159 = vector.shape_cast %get3A_158 : vector<16xf32> to vector<16xf32>
      %add3A_160 = arith.addf %get3A_159, %select_n3A : vector<16xf32>
      %swap3A_161 = arith.index_cast %squeeze3A_156 : i32 to index
      %swap3A_162 = tpu.vector_load %arg8[%swap3A_161] {strides = array<i32>} : memref<8208xf32, #tpu.memory_space<vmem>>, vector<16xf32>,
      %swap3A_163 = vector.shape_cast %swap3A_162 : vector<16xf32> to vector<16xf32>
      %swap3A_164 = vector.shape_cast %add3A_160 : vector<16xf32> to vector<16xf32>
      tpu.vector_store %arg8[%swap3A_161], %swap3A_164 {strides = array<i32>} : memref<8208xf32, #tpu.memory_space<vmem>>, vector<16xf32>,
      %slice3A_165 = vector.extract_strided_slice %get3A_27 {offsets = [14], sizes = [1], strides = [1]} : vector<16xi32> to vector<1xi32>
      %squeeze3A_166 = vector.extract %slice3A_165[0] : i32 from vector<1xi32>
      %get3A_167 = arith.index_cast %squeeze3A_166 : i32 to index
      %get3A_168 = tpu.vector_load %arg8[%get3A_167] {strides = array<i32>} : memref<8208xf32, #tpu.memory_space<vmem>>, vector<16xf32>,
      %get3A_169 = vector.shape_cast %get3A_168 : vector<16xf32> to vector<16xf32>
      %add3A_170 = arith.addf %get3A_169, %select_n3A : vector<16xf32>
      %swap3A_171 = arith.index_cast %squeeze3A_166 : i32 to index
      %swap3A_172 = tpu.vector_load %arg8[%swap3A_171] {strides = array<i32>} : memref<8208xf32, #tpu.memory_space<vmem>>, vector<16xf32>,
      %swap3A_173 = vector.shape_cast %swap3A_172 : vector<16xf32> to vector<16xf32>
      %swap3A_174 = vector.shape_cast %add3A_170 : vector<16xf32> to vector<16xf32>
      tpu.vector_store %arg8[%swap3A_171], %swap3A_174 {strides = array<i32>} : memref<8208xf32, #tpu.memory_space<vmem>>, vector<16xf32>,
      %slice3A_175 = vector.extract_strided_slice %get3A_27 {offsets = [15], sizes = [1], strides = [1]} : vector<16xi32> to vector<1xi32>
      %squeeze3A_176 = vector.extract %slice3A_175[0] : i32 from vector<1xi32>
      %get3A_177 = arith.index_cast %squeeze3A_176 : i32 to index
      %get3A_178 = tpu.vector_load %arg8[%get3A_177] {strides = array<i32>} : memref<8208xf32, #tpu.memory_space<vmem>>, vector<16xf32>,
      %get3A_179 = vector.shape_cast %get3A_178 : vector<16xf32> to vector<16xf32>
      %add3A_180 = arith.addf %get3A_179, %select_n3A : vector<16xf32>
      %swap3A_181 = arith.index_cast %squeeze3A_176 : i32 to index
      %swap3A_182 = tpu.vector_load %arg8[%swap3A_181] {strides = array<i32>} : memref<8208xf32, #tpu.memory_space<vmem>>, vector<16xf32>,
      %swap3A_183 = vector.shape_cast %swap3A_182 : vector<16xf32> to vector<16xf32>
      %swap3A_184 = vector.shape_cast %add3A_180 : vector<16xf32> to vector<16xf32>
      tpu.vector_store %arg8[%swap3A_181], %swap3A_184 {strides = array<i32>} : memref<8208xf32, #tpu.memory_space<vmem>>, vector<16xf32>,
    }
    %scan3A_17 = arith.constant 16 : i32
    "tpu.region"() ({
      %run_scoped3A = tpu.sem_alloc : memref<!tpu.dma_semaphore, #tpu.memory_space<semaphore_mem>>
      %dma_start3A_18 = arith.constant 0 : i32
      %dma_start3A_19 = tpu.memref_slice %arg8[%dma_start3A_18] : memref<8208xf32, #tpu.memory_space<vmem>> -> memref<8192xf32, #tpu.memory_space<vmem>>
      %dma_start3A_20 = arith.constant 0 : i32
      %dma_start3A_21 = tpu.memref_slice %arg5[%add3A, %dma_start3A_20] : memref<32x8192xf32, #tpu.memory_space<hbm>> -> memref<1x8192xf32, #tpu.memory_space<hbm>>
      %dma_start3A_22 = tpu.memref_squeeze %dma_start3A_21 : memref<1x8192xf32, #tpu.memory_space<hbm>> -> memref<8192xf32, #tpu.memory_space<hbm>>
      %dma_start3A_23 = arith.constant 0 : i32
      %dma_start3A_24 = tpu.memref_slice %arg5[%add3A, %dma_start3A_23] : memref<32x8192xf32, #tpu.memory_space<hbm>> -> memref<1x8192xf32, #tpu.memory_space<hbm>>
      %dma_start3A_25 = tpu.memref_squeeze %dma_start3A_24 : memref<1x8192xf32, #tpu.memory_space<hbm>> -> memref<8192xf32, #tpu.memory_space<hbm>>
      %dma_start3A_26 = arith.constant 0 : i32
      %dma_start3A_27 = tpu.memref_slice %arg8[%dma_start3A_26] : memref<8208xf32, #tpu.memory_space<vmem>> -> memref<8192xf32, #tpu.memory_space<vmem>>
      tpu.enqueue_dma source(%dma_start3A_27 : memref<8192xf32, #tpu.memory_space<vmem>>) target(%dma_start3A_25 : memref<8192xf32, #tpu.memory_space<hbm>>) target_semaphore(%run_scoped3A : memref<!tpu.dma_semaphore, #tpu.memory_space<semaphore_mem>>)
      %dma_wait3A_28 = arith.constant 0 : i32
      %dma_wait3A_29 = tpu.memref_slice %arg8[%dma_wait3A_28] : memref<8208xf32, #tpu.memory_space<vmem>> -> memref<8192xf32, #tpu.memory_space<vmem>>
      %dma_wait3A_30 = arith.constant 0 : i32
      %dma_wait3A_31 = tpu.memref_slice %arg5[%add3A, %dma_wait3A_30] : memref<32x8192xf32, #tpu.memory_space<hbm>> -> memref<1x8192xf32, #tpu.memory_space<hbm>>
      %dma_wait3A_32 = tpu.memref_squeeze %dma_wait3A_31 : memref<1x8192xf32, #tpu.memory_space<hbm>> -> memref<8192xf32, #tpu.memory_space<hbm>>
      %dma_wait3A_33 = arith.constant 0 : i32
      %dma_wait3A_34 = tpu.memref_slice %arg5[%add3A, %dma_wait3A_33] : memref<32x8192xf32, #tpu.memory_space<hbm>> -> memref<1x8192xf32, #tpu.memory_space<hbm>>
      %dma_wait3A_35 = tpu.memref_squeeze %dma_wait3A_34 : memref<1x8192xf32, #tpu.memory_space<hbm>> -> memref<8192xf32, #tpu.memory_space<hbm>>
      %dma_wait3A_36 = arith.constant 0 : i32
      %dma_wait3A_37 = tpu.memref_slice %arg8[%dma_wait3A_36] : memref<8208xf32, #tpu.memory_space<vmem>> -> memref<8192xf32, #tpu.memory_space<vmem>>
      tpu.wait_dma2 semaphore(%run_scoped3A : memref<!tpu.dma_semaphore, #tpu.memory_space<semaphore_mem>>) src(%dma_wait3A_37 : memref<8192xf32, #tpu.memory_space<vmem>>) dst(%dma_wait3A_35 : memref<8192xf32, #tpu.memory_space<hbm>>)
      tpu.yield
    }) : () -> ()
    return
  }
}

module attributes {stable_mosaic.version = 14 : i64} {
  func.func @_argmin_body(%arg0: i32, %arg1: i32, %arg2: memref<2048x256xf32, #tpu.memory_space<vmem>>, %arg3: memref<2048x256xf32, #tpu.memory_space<vmem>>, %arg4: memref<2048xi32, #tpu.memory_space<vmem>>, %arg5: memref<2048xf32, #tpu.memory_space<vmem>>, %arg6: memref<2048xi32, #tpu.memory_space<vmem>>) attributes {dimension_semantics = [#tpu.dimension_semantics<arbitrary>, #tpu.dimension_semantics<arbitrary>], iteration_bounds = array<i64: 4, 4>, scalar_prefetch = 0 : i64, scratch_operands = 2 : i64, tpu.core_type = #tpu.core_type<tc>, window_params = [{transform_indices = @transform_0, window_bounds = array<i64: 2048, 256>}, {transform_indices = @transform_1, window_bounds = array<i64: 2048, 256>}, {transform_indices = @transform_2, window_bounds = array<i64: 2048>}]} {
    %eq3A = arith.constant 0 : i32
    %eq3A_0 = arith.cmpi eq, %arg1, %eq3A : i32
    %convert_element_type3A = arith.extui %eq3A_0 : i1 to i32
    %cond3A = arith.constant 0 : i32
    %cond3A_1 = arith.cmpi ne, %convert_element_type3A, %cond3A : i32
    scf.if %cond3A_1 {
      %broadcast_in_dim3A_52 = arith.constant 0x7F800000 : f32
      %broadcast_in_dim3A_53 = vector.broadcast %broadcast_in_dim3A_52 : f32 to vector<2048xf32>
      %swap3A_54 = arith.constant 0 : index
      %swap3A_55 = vector.load %arg5[%swap3A_54] : memref<2048xf32, #tpu.memory_space<vmem>>, vector<2048xf32>
      tpu.vector_store %arg5[%swap3A_54], %broadcast_in_dim3A_53 {strides = array<i32>} : memref<2048xf32, #tpu.memory_space<vmem>>, vector<2048xf32>,
      %broadcast_in_dim3A_56 = arith.constant 0 : i32
      %broadcast_in_dim3A_57 = vector.broadcast %broadcast_in_dim3A_56 : i32 to vector<2048xi32>
      %swap3A_58 = arith.constant 0 : index
      %swap3A_59 = vector.load %arg6[%swap3A_58] : memref<2048xi32, #tpu.memory_space<vmem>>, vector<2048xi32>
      tpu.vector_store %arg6[%swap3A_58], %broadcast_in_dim3A_57 {strides = array<i32>} : memref<2048xi32, #tpu.memory_space<vmem>>, vector<2048xi32>,
    } else {
    }
    %get3A = arith.constant 0 : index
    %get3A_2 = arith.constant 0 : index
    %get3A_3 = vector.load %arg2[%get3A, %get3A_2] : memref<2048x256xf32, #tpu.memory_space<vmem>>, vector<2048x256xf32>
    %get3A_4 = arith.constant 0 : index
    %get3A_5 = arith.constant 0 : index
    %get3A_6 = vector.load %arg3[%get3A_4, %get3A_5] : memref<2048x256xf32, #tpu.memory_space<vmem>>, vector<2048x256xf32>
    %mul3A = arith.mulf %get3A_3, %get3A_3 : vector<2048x256xf32>
    %reduce_sum3A = arith.constant dense<0.000000e+00> : vector<2048xf32>
    %reduce_sum3A_7 = vector.multi_reduction <add>, %mul3A, %reduce_sum3A [1] : vector<2048x256xf32> to vector<2048xf32>
    %broadcast_in_dim3A = vector.shape_cast %reduce_sum3A_7 : vector<2048xf32> to vector<2048x1xf32>
    %mul3A_8 = arith.mulf %get3A_6, %get3A_6 : vector<2048x256xf32>
    %reduce_sum3A_9 = arith.constant dense<0.000000e+00> : vector<2048xf32>
    %reduce_sum3A_10 = vector.multi_reduction <add>, %mul3A_8, %reduce_sum3A_9 [1] : vector<2048x256xf32> to vector<2048xf32>
    %broadcast_in_dim3A_11 = vector.shape_cast %reduce_sum3A_10 : vector<2048xf32> to vector<1x2048xf32>
    %convert_element_type3A_12 = arith.truncf %get3A_3 : vector<2048x256xf32> to vector<2048x256xbf16>
    %convert_element_type3A_13 = arith.truncf %get3A_6 : vector<2048x256xf32> to vector<2048x256xbf16>
    %dot_general3A = arith.constant dense<0.000000e+00> : vector<2048x2048xf32>
    %dot_general3A_14 = tpu.matmul %convert_element_type3A_12, %convert_element_type3A_13, %dot_general3A {dimension_numbers = #tpu.dot_dimension_numbers<[1], [1], [0], [0], [0, 0, 1, 0], [], []>, transpose_lhs_hint = false} : vector<2048x256xbf16>, vector<2048x256xbf16>, vector<2048x2048xf32> -> vector<2048x2048xf32>
    %add3A = vector.broadcast %broadcast_in_dim3A : vector<2048x1xf32> to vector<2048x2048xf32>
    %add3A_15 = vector.broadcast %broadcast_in_dim3A_11 : vector<1x2048xf32> to vector<2048x2048xf32>
    %add3A_16 = arith.addf %add3A, %add3A_15 : vector<2048x2048xf32>
    %mul3A_17 = arith.constant 2.000000e+00 : f32
    %mul3A_18 = vector.broadcast %mul3A_17 : f32 to vector<2048x2048xf32>
    %mul3A_19 = arith.mulf %mul3A_18, %dot_general3A_14 : vector<2048x2048xf32>
    %sub3A = arith.subf %add3A_16, %mul3A_19 : vector<2048x2048xf32>
    %reduce_min3A = arith.constant dense<0x7F800000> : vector<2048xf32>
    %reduce_min3A_20 = vector.multi_reduction <minimumf>, %sub3A, %reduce_min3A [1] : vector<2048x2048xf32> to vector<2048xf32>
    %iota3A = tpu.iota {dimensions = array<i32: 1>} : vector<2048x2048xi32>
    %broadcast_in_dim3A_21 = vector.shape_cast %reduce_min3A_20 : vector<2048xf32> to vector<2048x1xf32>
    %eq3A_22 = vector.broadcast %broadcast_in_dim3A_21 : vector<2048x1xf32> to vector<2048x2048xf32>
    %eq3A_23 = arith.cmpf oeq, %sub3A, %eq3A_22 : vector<2048x2048xf32>
    %jit3A = arith.constant 8192 : i32
    %broadcast_in_dim3A_24 = vector.broadcast %jit3A : i32 to vector<2048x2048xi32>
    %select_n3A = arith.select %eq3A_23, %iota3A, %broadcast_in_dim3A_24 : vector<2048x2048xi1>, vector<2048x2048xi32>
    %reduce_min3A_25 = arith.constant dense<2147483647> : vector<2048xi32>
    %reduce_min3A_26 = vector.multi_reduction <minsi>, %select_n3A, %reduce_min3A_25 [1] : vector<2048x2048xi32> to vector<2048xi32>
    %mul3A_27 = arith.constant 2048 : i32
    %mul3A_28 = arith.muli %arg1, %mul3A_27 : i32
    %add3A_29 = vector.broadcast %mul3A_28 : i32 to vector<2048xi32>
    %add3A_30 = arith.addi %reduce_min3A_26, %add3A_29 : vector<2048xi32>
    %get3A_31 = arith.constant 0 : index
    %get3A_32 = vector.load %arg5[%get3A_31] : memref<2048xf32, #tpu.memory_space<vmem>>, vector<2048xf32>
    %lt3A = arith.cmpf olt, %reduce_min3A_20, %get3A_32 : vector<2048xf32>
    %get3A_33 = arith.constant 0 : index
    %get3A_34 = vector.load %arg6[%get3A_33] : memref<2048xi32, #tpu.memory_space<vmem>>, vector<2048xi32>
    %select_n3A_35 = arith.select %lt3A, %add3A_30, %get3A_34 : vector<2048xi1>, vector<2048xi32>
    %swap3A = arith.constant 0 : index
    %swap3A_36 = vector.load %arg6[%swap3A] : memref<2048xi32, #tpu.memory_space<vmem>>, vector<2048xi32>
    tpu.vector_store %arg6[%swap3A], %select_n3A_35 {strides = array<i32>} : memref<2048xi32, #tpu.memory_space<vmem>>, vector<2048xi32>,
    %get3A_37 = arith.constant 0 : index
    %get3A_38 = vector.load %arg5[%get3A_37] : memref<2048xf32, #tpu.memory_space<vmem>>, vector<2048xf32>
    %select_n3A_39 = arith.select %lt3A, %reduce_min3A_20, %get3A_38 : vector<2048xi1>, vector<2048xf32>
    %swap3A_40 = arith.constant 0 : index
    %swap3A_41 = vector.load %arg5[%swap3A_40] : memref<2048xf32, #tpu.memory_space<vmem>>, vector<2048xf32>
    tpu.vector_store %arg5[%swap3A_40], %select_n3A_39 {strides = array<i32>} : memref<2048xf32, #tpu.memory_space<vmem>>, vector<2048xf32>,
    %eq3A_42 = arith.constant 1 : i32
    %eq3A_43 = arith.cmpi eq, %arg1, %eq3A_42 : i32
    %convert_element_type3A_44 = arith.extui %eq3A_43 : i1 to i32
    %cond3A_45 = arith.constant 0 : i32
    %cond3A_46 = arith.cmpi ne, %convert_element_type3A_44, %cond3A_45 : i32
    scf.if %cond3A_46 {
      %get3A_52 = arith.constant 0 : index
      %get3A_53 = vector.load %arg5[%get3A_52] : memref<2048xf32, #tpu.memory_space<vmem>>, vector<2048xf32>
      %convert_element_type3A_54 = arith.truncf %get3A_53 : vector<2048xf32> to vector<2048xbf16>
      %convert_element_type3A_55 = arith.extf %convert_element_type3A_54 : vector<2048xbf16> to vector<2048xf32>
      %swap3A_56 = arith.constant 0 : index
      %swap3A_57 = vector.load %arg5[%swap3A_56] : memref<2048xf32, #tpu.memory_space<vmem>>, vector<2048xf32>
      tpu.vector_store %arg5[%swap3A_56], %convert_element_type3A_55 {strides = array<i32>} : memref<2048xf32, #tpu.memory_space<vmem>>, vector<2048xf32>,
    } else {
    }
    %eq3A_47 = arith.constant 3 : i32
    %eq3A_48 = arith.cmpi eq, %arg1, %eq3A_47 : i32
    %convert_element_type3A_49 = arith.extui %eq3A_48 : i1 to i32
    %cond3A_50 = arith.constant 0 : i32
    %cond3A_51 = arith.cmpi ne, %convert_element_type3A_49, %cond3A_50 : i32
    scf.if %cond3A_51 {
      %get3A_52 = arith.constant 0 : index
      %get3A_53 = vector.load %arg6[%get3A_52] : memref<2048xi32, #tpu.memory_space<vmem>>, vector<2048xi32>
      %swap3A_54 = arith.constant 0 : index
      %swap3A_55 = vector.load %arg4[%swap3A_54] : memref<2048xi32, #tpu.memory_space<vmem>>, vector<2048xi32>
      tpu.vector_store %arg4[%swap3A_54], %get3A_53 {strides = array<i32>} : memref<2048xi32, #tpu.memory_space<vmem>>, vector<2048xi32>,
    } else {
    }
    return
  }
  func.func @transform_0(%arg0: i32, %arg1: i32) -> (i32, i32) {
    %c0_i32 = arith.constant 0 : i32
    %c0_i32_0 = arith.constant 0 : i32
    return %arg0, %c0_i32 : i32, i32
  }
  func.func @transform_1(%arg0: i32, %arg1: i32) -> (i32, i32) {
    %c0_i32 = arith.constant 0 : i32
    %c0_i32_0 = arith.constant 0 : i32
    return %arg1, %c0_i32 : i32, i32
  }
  func.func @transform_2(%arg0: i32, %arg1: i32) -> i32 {
    %c0_i32 = arith.constant 0 : i32
    return %arg0 : i32
  }
}

module attributes {stable_mosaic.version = 14 : i64} {
  func.func @_finish_body(%arg0: i32, %arg1: memref<1024x256xf32, #tpu.memory_space<vmem>>, %arg2: memref<1024x256xf32, #tpu.memory_space<vmem>>, %arg3: memref<32x8192xf32, #tpu.memory_space<vmem>>, %arg4: memref<1x256x1024xf32, #tpu.memory_space<vmem>>, %arg5: memref<1x1xf32, #tpu.memory_space<vmem>>, %arg6: memref<1x1xf32, #tpu.memory_space<vmem>>, %arg7: memref<1xf32, #tpu.memory_space<smem>>) attributes {dimension_semantics = [#tpu.dimension_semantics<arbitrary>], iteration_bounds = array<i64: 8>, scalar_prefetch = 0 : i64, scratch_operands = 1 : i64, tpu.core_type = #tpu.core_type<tc>, window_params = [{transform_indices = @transform_0, window_bounds = array<i64: 1024, 256>}, {transform_indices = @transform_1, window_bounds = array<i64: 1024, 256>}, {pipeline_mode = #tpu.pipeline_mode<synchronous>, transform_indices = @transform_2, window_bounds = array<i64: 32, 8192>}, {transform_indices = @transform_3, window_bounds = array<i64: 1, 256, 1024>}, {pipeline_mode = #tpu.pipeline_mode<synchronous>, transform_indices = @transform_4, window_bounds = array<i64: 1, 1>}, {pipeline_mode = #tpu.pipeline_mode<synchronous>, transform_indices = @transform_5, window_bounds = array<i64: 1, 1>}]} {
    %eq3A = arith.constant 0 : i32
    %eq3A_0 = arith.cmpi eq, %arg0, %eq3A : i32
    %convert_element_type3A = arith.extui %eq3A_0 : i1 to i32
    %cond3A = arith.constant 0 : i32
    %cond3A_1 = arith.cmpi ne, %convert_element_type3A, %cond3A : i32
    scf.if %cond3A_1 {
      %swap3A_24 = arith.constant 0.000000e+00 : f32
      %swap3A_25 = arith.constant 0 : index
      %swap3A_26 = memref.load %arg7[%swap3A_25] : memref<1xf32, #tpu.memory_space<smem>>
      memref.store %swap3A_24, %arg7[%swap3A_25] : memref<1xf32, #tpu.memory_space<smem>>
      %get3A_27 = arith.constant 0 : index
      %get3A_28 = arith.constant 0 : index
      %get3A_29 = vector.load %arg3[%get3A_27, %get3A_28] : memref<32x8192xf32, #tpu.memory_space<vmem>>, vector<32x8192xf32>
      %reduce_sum3A_30 = arith.constant dense<0.000000e+00> : vector<8192xf32>
      %reduce_sum3A_31 = vector.multi_reduction <add>, %get3A_29, %reduce_sum3A_30 [0] : vector<32x8192xf32> to vector<8192xf32>
      %mul3A_32 = arith.constant 1.22070313E-4 : f32
      %mul3A_33 = vector.broadcast %mul3A_32 : f32 to vector<8192xf32>
      %mul3A_34 = arith.mulf %reduce_sum3A_31, %mul3A_33 : vector<8192xf32>
      %add3A_35 = arith.constant 1.000000e-10 : f32
      %add3A_36 = vector.broadcast %add3A_35 : f32 to vector<8192xf32>
      %add3A_37 = arith.addf %mul3A_34, %add3A_36 : vector<8192xf32>
      %log3A = math.log %add3A_37 : vector<8192xf32>
      %mul3A_38 = arith.mulf %mul3A_34, %log3A : vector<8192xf32>
      %reduce_sum3A_39 = vector.shape_cast %mul3A_38 : vector<8192xf32> to vector<1x8192xf32>
      %reduce_sum3A_40 = arith.constant dense<0.000000e+00> : vector<1xf32>
      %reduce_sum3A_41 = vector.multi_reduction <add>, %reduce_sum3A_39, %reduce_sum3A_40 [1] : vector<1x8192xf32> to vector<1xf32>
      %reduce_sum3A_42 = vector.shape_cast %reduce_sum3A_41 : vector<1xf32> to vector<1x1xf32>
      %reduce_sum3A_43 = vector.extract %reduce_sum3A_42[0, 0] : f32 from vector<1x1xf32>
      %neg3A = arith.constant 0.000000e+00 : f32
      %neg3A_44 = arith.subf %neg3A, %reduce_sum3A_43 : f32
      %exp3A = math.exp %neg3A_44 : f32
      %broadcast_in_dim3A_45 = arith.constant 1.000000e+00 : f32
      %broadcast_in_dim3A_46 = vector.broadcast %broadcast_in_dim3A_45 : f32 to vector<1x1xf32>
      %mul3A_47 = vector.broadcast %exp3A : f32 to vector<1x1xf32>
      %mul3A_48 = arith.mulf %mul3A_47, %broadcast_in_dim3A_46 : vector<1x1xf32>
      %swap3A_49 = arith.constant 0 : index
      %swap3A_50 = arith.constant 0 : index
      %swap3A_51 = vector.load %arg6[%swap3A_49, %swap3A_50] : memref<1x1xf32, #tpu.memory_space<vmem>>, vector<1x1xf32>
      tpu.vector_store %arg6[%swap3A_49, %swap3A_50], %mul3A_48 {strides = array<i32>} : memref<1x1xf32, #tpu.memory_space<vmem>>, vector<1x1xf32>,
    } else {
    }
    %get3A = arith.constant 0 : index
    %get3A_2 = arith.constant 0 : index
    %get3A_3 = vector.load %arg1[%get3A, %get3A_2] : memref<1024x256xf32, #tpu.memory_space<vmem>>, vector<1024x256xf32>
    %get3A_4 = arith.constant 0 : index
    %get3A_5 = arith.constant 0 : index
    %get3A_6 = vector.load %arg2[%get3A_4, %get3A_5] : memref<1024x256xf32, #tpu.memory_space<vmem>>, vector<1024x256xf32>
    %sub3A = arith.subf %get3A_3, %get3A_6 : vector<1024x256xf32>
    %add3A = arith.addf %get3A_6, %sub3A : vector<1024x256xf32>
    %transpose3A = tpu.transpose %add3A, [1, 0] : vector<1024x256xf32> -> vector<256x1024xf32>
    %broadcast_in_dim3A = vector.shape_cast %transpose3A : vector<256x1024xf32> to vector<1x256x1024xf32>
    %swap3A = arith.constant 0 : index
    %swap3A_7 = arith.constant 0 : index
    %swap3A_8 = arith.constant 0 : index
    %swap3A_9 = vector.load %arg4[%swap3A, %swap3A_7, %swap3A_8] : memref<1x256x1024xf32, #tpu.memory_space<vmem>>, vector<1x256x1024xf32>
    tpu.vector_store %arg4[%swap3A, %swap3A_7, %swap3A_8], %broadcast_in_dim3A {strides = array<i32>} : memref<1x256x1024xf32, #tpu.memory_space<vmem>>, vector<1x256x1024xf32>,
    %get3A_10 = arith.constant 0 : index
    %get3A_11 = memref.load %arg7[%get3A_10] : memref<1xf32, #tpu.memory_space<smem>>
    %mul3A = arith.mulf %sub3A, %sub3A : vector<1024x256xf32>
    %reduce_sum3A = vector.shape_cast %mul3A : vector<1024x256xf32> to vector<1x1024x256xf32>
    %reduce_sum3A_12 = arith.constant dense<0.000000e+00> : vector<1xf32>
    %reduce_sum3A_13 = vector.multi_reduction <add>, %reduce_sum3A, %reduce_sum3A_12 [1, 2] : vector<1x1024x256xf32> to vector<1xf32>
    %reduce_sum3A_14 = vector.shape_cast %reduce_sum3A_13 : vector<1xf32> to vector<1x1x1xf32>
    %reduce_sum3A_15 = vector.extract %reduce_sum3A_14[0, 0, 0] : f32 from vector<1x1x1xf32>
    %add3A_16 = arith.addf %get3A_11, %reduce_sum3A_15 : f32
    %swap3A_17 = arith.constant 0 : index
    %swap3A_18 = memref.load %arg7[%swap3A_17] : memref<1xf32, #tpu.memory_space<smem>>
    memref.store %add3A_16, %arg7[%swap3A_17] : memref<1xf32, #tpu.memory_space<smem>>
    %eq3A_19 = arith.constant 7 : i32
    %eq3A_20 = arith.cmpi eq, %arg0, %eq3A_19 : i32
    %convert_element_type3A_21 = arith.extui %eq3A_20 : i1 to i32
    %cond3A_22 = arith.constant 0 : i32
    %cond3A_23 = arith.cmpi ne, %convert_element_type3A_21, %cond3A_22 : i32
    scf.if %cond3A_23 {
      %get3A_24 = arith.constant 0 : index
      %get3A_25 = memref.load %arg7[%get3A_24] : memref<1xf32, #tpu.memory_space<smem>>
      %mul3A_26 = arith.constant 1.1920929E-7 : f32
      %mul3A_27 = arith.mulf %get3A_25, %mul3A_26 : f32
      %broadcast_in_dim3A_28 = arith.constant 1.000000e+00 : f32
      %broadcast_in_dim3A_29 = vector.broadcast %broadcast_in_dim3A_28 : f32 to vector<1x1xf32>
      %mul3A_30 = vector.broadcast %mul3A_27 : f32 to vector<1x1xf32>
      %mul3A_31 = arith.mulf %mul3A_30, %broadcast_in_dim3A_29 : vector<1x1xf32>
      %swap3A_32 = arith.constant 0 : index
      %swap3A_33 = arith.constant 0 : index
      %swap3A_34 = vector.load %arg5[%swap3A_32, %swap3A_33] : memref<1x1xf32, #tpu.memory_space<vmem>>, vector<1x1xf32>
      tpu.vector_store %arg5[%swap3A_32, %swap3A_33], %mul3A_31 {strides = array<i32>} : memref<1x1xf32, #tpu.memory_space<vmem>>, vector<1x1xf32>,
    } else {
    }
    return
  }
  func.func @transform_0(%arg0: i32) -> (i32, i32) {
    %c0_i32 = arith.constant 0 : i32
    %c0_i32_0 = arith.constant 0 : i32
    return %arg0, %c0_i32 : i32, i32
  }
  func.func @transform_1(%arg0: i32) -> (i32, i32) {
    %c0_i32 = arith.constant 0 : i32
    %c0_i32_0 = arith.constant 0 : i32
    return %arg0, %c0_i32 : i32, i32
  }
  func.func @transform_2(%arg0: i32) -> (i32, i32) {
    %c0_i32 = arith.constant 0 : i32
    %c0_i32_0 = arith.constant 0 : i32
    %c0_i32_1 = arith.constant 0 : i32
    return %c0_i32, %c0_i32_0 : i32, i32
  }
  func.func @transform_3(%arg0: i32) -> (i32, i32, i32) {
    %c0_i32 = arith.constant 0 : i32
    %c0_i32_0 = arith.constant 0 : i32
    %c0_i32_1 = arith.constant 0 : i32
    return %arg0, %c0_i32, %c0_i32_0 : i32, i32, i32
  }
  func.func @transform_4(%arg0: i32) -> (i32, i32) {
    %c0_i32 = arith.constant 0 : i32
    %c0_i32_0 = arith.constant 0 : i32
    %c0_i32_1 = arith.constant 0 : i32
    return %c0_i32, %c0_i32_0 : i32, i32
  }
  func.func @transform_5(%arg0: i32) -> (i32, i32) {
    %c0_i32 = arith.constant 0 : i32
    %c0_i32_0 = arith.constant 0 : i32
    %c0_i32_1 = arith.constant 0 : i32
    return %c0_i32, %c0_i32_0 : i32, i32
  }
}

</mosaic_0001>

<sc_bundles>
// kernel: kernel.5.cloned.1.call-start
scs
__scs_entry_jumppad:
0x0: {  	(pc) =	sbr.rel $0x88, $3  }
0x1: {  	(tag) =	ssettag $0x0;
	lr =	simm.s32 $0x1  }
0x2: {  	[smem:$0x3F9F] =	sst lr;
	_ =	strace $0xD0000000  }
0x3: {  	_ = 	snop  }
0x4: {  	_ = 	snop  }
0x5: {  	_ = 	snop  }
0x6: {  	_ = 	snop  }
0x7: {  	_ = 	snop  }
__scs_overlays_trampoline_lowered:
0x8: {  	[smem:$0x3FAE] =	sst s0  }
0x9: {  	[smem:$0x3FAF] =	sst s1  }
0xa: {  	[smem:$0x3FB0] =	sst s2  }
0xb: {  	[smem:$0x3FB1] =	sst s3  }
0xc: {  	[smem:$0x3FB2] =	sst s4  }
0xd: {  	[smem:$0x3FB3] =	sst s5  }
0xe: {  	[smem:$0x3FB4] =	sst s6  }
0xf: {  	[smem:$0x3FB5] =	sst s7  }
0x10: {  	[smem:$0x3FB6] =	sst s8  }
0x11: {  	[smem:$0x3FB7] =	sst s9;
	s0 =	simm.s32 @!p0 $0x0  }
0x12: {  	s1 =	sld [smem:$0x3F9D];
	s0 =	simm.s32 @p0 $0x1  }
0x13: {  	[smem:$0x3FB8] =	sst s0;
	s0 =	simm.s32 @!p1 $0x0  }
0x14: {  	s2 =	sld [smem:$0x3F9C];
	s0 =	simm.s32 @p1 $0x1  }
0x15: {  	[smem:$0x3FB9] =	sst s0;
	s0 =	simm.s32 @!p2 $0x0  }
0x16: {  	s3 =	sld [smem:$0x3FDB];
	s0 =	simm.s32 @p2 $0x1  }
0x17: {  	s4 =	simm.s32 $0x1BF5;
	[smem:$0x3FBB] =	sst s0  }
0x18: {  	s0 =	sld [smem:$0x3F9E];
	_ =	swait.ge [sflag:s4], $0x0  }
0x19: {  	s7 =	sld [smem:$0x3F9F]  }
0x1a: {  	s8 =	sadd.s32 $0xFFFFE003, lr  }
0x1b: {  	s9 =	sadd.s32 $0xFFFFFEF7, lr;
	s5 =	simm.s32 $0xFFFFFFFF;
	p2 =	slt.u32 s8, $0xFFFFF086  }
0x1c: {  	p1 =	slt.u32 s9, $0xF7A;
	s5 =	simm.s32 @!p2 $0x0  }
0x1d: {  	s5 =	simm.s32 @p1 $0x1;
	p0 =	seq.s32 s7, s2  }
0x1e: {  	s7 =	smul.u32 @!p0 $0xF7A, s2;
	p2 =	seq.s32 @!p0 s5, $0x0  }
0x1f: {  	s9 =	smul.u32 $0xF7A, s1;
	s8 =	simm.s32 @!p0 $0x1BF5;
	p2 =	por !p2, p0  }
0x20: {  	[sflag:s8] =	ssyncset.s32 @!p0 $0xFFFFF086;
	s6 =	sadd.s32 @!p0 s3, s7;
	s7 =	simm.s32 @!p0 $0x108  }
0x21: {  	s3 =	sadd.s32 s3, s9;
	s6 =	sadd.s32 @!p0 $0x88, s6;
	s7 =	simm.s32 @p2 $0x1082  }
0x22: {  	[simem:s7], [sflag:s8] =	dma.local @!p0 [hbm:s6], $0xF7A  }
0x23: {  	s9 =	sor.u32 $0xD0000000, s2;
	s6 =	simm.s32 $0x108;
	_ =	swait.ge @!p0 [sflag:s8], $0x0  }
0x24: {  	s3 =	sadd.s32 $0x88, s3;
	s6 =	simm.s32 @!p1 $0x1082;
	[sflag:s4] =	ssyncset.s32 $0xFFFFF086  }
0x25: {  	[simem:s6], [sflag:s4] =	dma.local [hbm:s3], $0xF7A  }
0x26: {  	[smem:$0x3F9F] =	sst s1;
	(tag) =	ssettag s2;
	_ =	strace s9  }
0x27: {  	s1 =	sld [smem:$0x3FAF]  }
0x28: {  	s2 =	sld [smem:$0x3FB0]  }
0x29: {  	s4 =	sld [smem:$0x3FB2]  }
0x2a: {  	p0 =	seq.s32 s5, $0x0;
	s5 =	sld [smem:$0x3FB3]  }
0x2b: {  	s6 =	sld [smem:$0x3FB4]  }
0x2c: {  	s7 =	sld [smem:$0x3FB5]  }
0x2d: {  	s3 =	simm.s32 $0x108;
	s8 =	sld [smem:$0x3FB6]  }
0x2e: {  	s3 =	simm.s32 @!p0 $0x1082;
	s9 =	sld [smem:$0x3FB7]  }
0x2f: {  	lr =	sadd.s32 s0, s3;
	s0 =	sld [smem:$0x3FAE]  }
0x30: {  	s3 =	sld [smem:$0x3FB1]  }
0x31: {  	[smem:$0x3FBA] =	sst s10  }
0x32: {  	s10 =	sld [smem:$0x3FB8];
	_ =	sdelay $0x3  }
0x33: {  	p0 =	seq.s32 s10, $0x1;
	s10 =	sld [smem:$0x3FBA];
	_ =	sdelay $0x3  }
0x34: {  	[smem:$0x3FBA] =	sst s10  }
0x35: {  	s10 =	sld [smem:$0x3FB9];
	_ =	sdelay $0x3  }
0x36: {  	p1 =	seq.s32 s10, $0x1;
	s10 =	sld [smem:$0x3FBA];
	_ =	sdelay $0x3  }
0x37: {  	[smem:$0x3FBA] =	sst s10  }
0x38: {  	s10 =	sld [smem:$0x3FBB]  }
0x39: {  	_ = 	snop;
	(pc) =	sbr.ind lr, $3  }
0x3a: {  	_ = 	snop  }
0x3b: {  	_ = 	snop  }
0x3c: {  	p2 =	seq.s32 s10, $0x1;
	s10 =	sld [smem:$0x3FBA]  }
0x3d: {  	_ =	shalt  }
0x3e: {  	_ =	shalt  }
0x3f: {  	_ =	shalt  }
0x40: {  	_ =	shalt  }
0x41: {  	_ =	shalt  }
0x42: {  	_ =	shalt  }
0x43: {  	_ =	shalt  }
0x44: {  	_ =	shalt  }
0x45: {  	_ =	shalt  }
0x46: {  	_ =	shalt  }
0x47: {  	_ =	shalt  }
0x48: {  	_ =	shalt  }
0x49: {  	_ =	shalt  }
0x4a: {  	_ =	shalt  }
0x4b: {  	_ =	shalt  }
0x4c: {  	_ =	shalt  }
0x4d: {  	_ =	shalt  }
0x4e: {  	_ =	shalt  }
0x4f: {  	_ =	shalt  }
0x50: {  	_ =	shalt  }
0x51: {  	_ =	shalt  }
0x52: {  	_ =	shalt  }
0x53: {  	_ =	shalt  }
0x54: {  	_ =	shalt  }
0x55: {  	_ =	shalt  }
0x56: {  	_ =	shalt  }
0x57: {  	_ =	shalt  }
0x58: {  	_ =	shalt  }
0x59: {  	_ =	shalt  }
0x5a: {  	_ =	shalt  }
0x5b: {  	_ =	shalt  }
0x5c: {  	_ =	shalt  }
0x5d: {  	_ =	shalt  }
0x5e: {  	_ =	shalt  }
0x5f: {  	_ =	shalt  }
0x60: {  	_ =	shalt  }
0x61: {  	_ =	shalt  }
0x62: {  	_ =	shalt  }
0x63: {  	_ =	shalt  }
0x64: {  	_ =	shalt  }
0x65: {  	_ =	shalt  }
0x66: {  	_ =	shalt  }
0x67: {  	_ =	shalt  }
0x68: {  	_ =	shalt  }
0x69: {  	_ =	shalt  }
0x6a: {  	_ =	shalt  }
0x6b: {  	_ =	shalt  }
0x6c: {  	_ =	shalt  }
0x6d: {  	_ =	shalt  }
0x6e: {  	_ =	shalt  }
0x6f: {  	_ =	shalt  }
0x70: {  	_ =	shalt  }
0x71: {  	_ =	shalt  }
0x72: {  	_ =	shalt  }
0x73: {  	_ =	shalt  }
0x74: {  	_ =	shalt  }
0x75: {  	_ =	shalt  }
0x76: {  	_ =	shalt  }
0x77: {  	_ =	shalt  }
0x78: {  	_ =	shalt  }
0x79: {  	_ =	shalt  }
0x7a: {  	_ =	shalt  }
0x7b: {  	_ =	shalt  }
0x7c: {  	_ =	shalt  }
0x7d: {  	_ =	shalt  }
0x7e: {  	_ =	shalt  }
0x7f: {  	_ =	shalt  }
0x80: {  	_ =	shalt  }
0x81: {  	_ =	shalt  }
0x82: {  	_ =	shalt  }
0x83: {  	_ =	shalt  }
0x84: {  	_ =	shalt  }
0x85: {  	_ =	shalt  }
0x86: {  	_ =	shalt  }
0x87: {  	_ =	shalt  }
.Lfunc_end0:
.L_simem_size_0:
called_computation_lowered:
.L_overlay_start_0:
0x88: {  	s2 =	sld [smem:$0x3FD9]  }
0x89: {  	s3 =	sld [smem:$0x3FFE];
	_ =	sdelay $0x1  }
0x8a: {  	s1 =	srdreg.scid  }
0x8b: {  	s0 =	sand.u32 $0x1, s1  }
0x8c: {  	s14 =	sshll.u32 s0, $0xA;
	s2 =	sadd.s32 s3, s2  }
0x8d: {  	s2 =	sadd.s32 s2, s14  }
0x8e: {  	[smem:$0x3FC6] =	sst s2  }
0x8f: {  	_ = 	snop  }
0x90: {  	s2 =	sld [smem:$0x3FD0];
	_ =	sdelay $0x2  }
0x91: {  	s4 =	simm.s32 $0xA;
	s5 =	simm.s32 $0x10;
	s15 =	sld [smem:$0x3FC8]  }
0x92: {  	[smem:s5], [sflag:s4] =	dma.local [hbm:s2], $0x1  }
0x93: {  	_ =	swait.eq [sflag:s4], $0x1  }
0x94: {  	[sflag:s4] =	ssyncset.done $0x0  }
0x95: {  	s16 =	sld [smem:$0x10];
	[sflag:s4] =	ssyncadd.s32 $0xFFFFFFFF  }
0x96: {  	s17 =	sld [smem:$0x13];
	(tm) =	ssettm $0x1  }
0x97: {  	s18 =	sld [smem:$0x3FFB];
	_ =	sdelay $0x3  }
0x98: {  	_ =	strace s18  }
0x99: {  	s5 =	sld [smem:$0x3FFC];
	_ =	sdelay $0x3  }
0x9a: {  	_ =	strace s5  }
0x9b: {  	s5 =	sld [smem:$0x3FFD];
	_ =	sdelay $0x3  }
0x9c: {  	_ =	strace s5  }
0x9d: {  	_ =	strace $0x8FFFFFFF  }
0x9e: {  	s19 =	sld [smem:$0x3FDB];
	_ =	sdelay $0x1  }
0x9f: {  	s6 =	simm.s32 $_scs_section_size  }
0xa0: {  	s7 =	simm.s32 $_size__tile_overlayer_lowered;
	s8 =	simm.s32 $_tile_overlayer_lowered  }
0xa1: {  	s22 =	simm.s32 $0x1BFF;
	s21 =	sshll.u32 s8, $0x1;
	s5 =	sadd.s32 s6, s19  }
0xa2: {  	s9 =	simm.s32 $0x0;
	s20 =	sshll.u32 s7, $0x1;
	s7 =	sadd.s32 s21, s5  }
0xa3: {  	[timem:s9], [sflag:s22] =	dma.local [hbm:s7], s20  }
0xa4: {  	_ =	swait.ge [sflag:s22], s20  }
0xa5: {  	s6 =	ssub.s32 $0x0, s20;
	[sflag:s22] =	ssyncset.done $0x0  }
0xa6: {  	[sflag:s22] =	ssyncadd.s32 s6;
	_ =	sdelay $0x1  }
0xa7: {  	s23 =	simm.s32 $0x1B8B  }
0xa8: {  	_ =	swait.ge [sflag:s23], $0x1  }
0xa9: {  	[sflag:s23] =	ssyncset.done $0x0  }
0xaa: {  	s25 =	simm.s32 $0x1B8E;
	s24 =	sld [smem:$0x3FFE];
	[sflag:s23] =	ssyncadd.s32 $0xFFFFFFFF  }
0xab: {  	s26 =	simm.s32 $execute0_lowered;
	[smem:$0x3FD2] =	sst s25  }
0xac: {  	s7 =	sshll.u32 s26, $0x1;
	_ =	strace $0x80000046;
	[dreg:$0x1] =	wrdreg $0xFFFFFFFF  }
0xad: {  	s28 =	simm.s32 $_size_execute0_lowered;
	s5 =	sadd.s32 s5, s7;
	[dreg:$0x0] =	wrdreg $0x0  }
0xae: {  	s7 =	sshll.u32 s28, $0x1;
	[dreg:$0x2] =	wrdreg s5  }
0xaf: {  	[dreg:$0x3] =	wrdreg s7  }
0xb0: {  	[dreg:$0x4] =	wrdreg $0xC0  }
0xb1: {  	_ =	task [dreg:s9], $0x5FFFF  }
0xb2: {  	[dreg:$0x1] =	wrdreg $0xFFFFFFFF  }
0xb3: {  	[dreg:$0x0] =	wrdreg $0x60  }
0xb4: {  	[dreg:$0x2] =	wrdreg s15  }
0xb5: {  	[dreg:$0x3] =	wrdreg s17  }
0xb6: {  	[dreg:$0x4] =	wrdreg s16  }
0xb7: {  	[dreg:$0x5] =	wrdreg s24  }
0xb8: {  	[dreg:$0x6] =	wrdreg $0x9  }
0xb9: {  	_ =	task.clear_ibuf [dreg:s9], $0x7FFFF;
	_ =	strace $0x90000046  }
0xba: {  	s29 =	simm.s32 $0x9;
	_ =	strace $0x80000048  }
0xbb: {  	_ =	swait.ge [sflag:s29], $0x1  }
0xbc: {  	[sflag:s29] =	ssyncadd.s32 $0xFFFFFFFF  }
0xbd: {  	_ =	strace $0x90000048  }
0xbe: {  	_ =	sfence  }
0xbf: {  	s30 =	sld [smem:$0x0];
	_ =	sdelay $0x2  }
0xc0: {  	s31 =	sshll.u32 s1, $0xD;
	s1 =	sshrl.u32 s1, $0x2  }
0xc1: {  	s3 =	sand.u32 $0x4000, s31;
	s1 =	sadd.s32 s1, s30  }
0xc2: {  	s0 =	sor.u32 s3, s0;
	s1 =	sshll.u32 s1, $0x11  }
0xc3: {  	s0 =	sor.u32 s1, s0  }
0xc4: {  	s0 =	sadd.s32 $0x8F2B, s0  }
0xc5: {  	[sflag:s0] =	ssyncadd.remote.s32 $0x1  }
0xc6: {  	_ =	sfence.sel $0xFFFF  }
0xc7: {  	[dreg:$0x0] =	wrdreg $0xFFFFFFFF;
	(pc) =	sbr.abs _section_cstart, $3  }
0xc8: {  	[dreg:$0x1] =	wrdreg $0xFFFFFFFF  }
0xc9: {  	_ =	task.clear_ibuf [dreg:s9], $0x2FFFF;
	_ =	strace $0x9FFFFFFF  }
0xca: {  	(tm) =	ssettm $0x7FFFFFFF  }
0xcb: {  	_ =	shalt  }
tec
execute0_lowered:
.L_overlay_start_1:
0x0: {  	(tag) =	ssettag $0x1  }
0x1: {  	s1 =	rddreg [dreg:$0x0]  }
0x2: {  	s0 =	srdreg.scid;
	s2 =	rddreg [dreg:$0x1]  }
0x3: {  	s3 =	stileid.u32;
	s5 =	rddreg [dreg:$0x2]  }
0x4: {  	s6 =	rddreg [dreg:$0x3];
	s28 =	simm.s32 $0x9100;
	s29 =	simm.s32 $0x9900  }
0x5: {  	s30 =	simm.s32 $0xA100;
	s31 =	simm.s32 $0xA900;
	s10 =	simm.s32 $0xC100  }
0x6: {  	s11 =	simm.s32 $0xC900;
	s12 =	simm.s32 $0xD100;
	s13 =	simm.s32 $0xD900  }
0x7: {  	s14 =	simm.s32 $0xE100;
	s15 =	simm.s32 $0xE900;
	s16 =	simm.s32 $0xF100  }
0x8: {  	s17 =	simm.s32 $0xF900;
	s18 =	simm.s32 $0x1;
	s19 =	simm.s32 $0x80  }
0x9: {  	s20 =	simm.s32 $0x400;
	s0 =	sand.u32 $0x1, s0;
	s3 =	sshll.u32 s3, $0x1  }
0xa: {  	s21 =	simm.s32 $0x10100;
	s22 =	simm.s32 $0x0;
	s4 =	sor.u32 s0, s3  }
0xb: {  	s3 =	simm.s32 $0x0;
	s0 =	ssub.s32 $0x2, s0;
	s7 =	sshll.u32 s4, $0xD  }
0xc: {  	s8 =	sshll.u32 s4, $0x7;
	[smem:$0x7FF] =	sst s3;
	s9 =	sshrl.u32 s0, $0x1  }
0xd: {  	s4 =	sshll.u32 s4, $0x5;
	s8 =	sor.u32 s8, s7;
	_ =	strace $0x80000047  }
0xe: {  	s0 =	ssub.s32 s0, s9;
	s4 =	sadd.s32 s2, s4;
	s8 =	sand.u32 $0x30380, s8  }
0xf: {  	v3 =	vlaneseq.u32;
	v2 =	vimm.f32 $0.0e+00;
	vm1 =	vcmask $0x300;
	s5 =	sadd.s32 s5, s7;
	s9 =	simm.s32 $0x100;
	s8 =	sshrl.u32 s8, $0x3  }
0x10: {  	vm0 =	vmmov $0xffff;
	v0 =	vand.u32 $0x7, v3;
	v1 =	vshrl.u32 v3, $0x3;
	s2 =	simm.s32 $0xB100;
	s7 =	smax.u32 s0, $0x1;
	s6 =	sadd.s32 s8, s6  }
0x11: {  	v3 =	vor.u32 $0x8, v3;
	v4 =	vsel vm1, $0x3F800000, v2;
	v1 =	vmul.u32 $0x8, v1;
	s0 =	simm.s32 $0xB900;
	s8 =	simm.s32 $0x2;
	s6 =	sadd.s32 $0x1200, s6  }
.LBB2_1:
0x12: {  	[tilespmem:s3], [sflag:$0x2] =	stream.linear.gather [hbm4b:s4+s3], $0x100, $0x38;
	[tilespmem:$0x12180] =	vst v63  }
0x13: {  	_ =	swait.ge [sflag:s8], $0x100  }
0x14: {  	[sflag:s8] =	ssyncset.done $0x0  }
0x15: {  	[sflag:s8] =	ssyncadd.s32 $0xFFFFFF00  }
0x16: {  	v5 =	vld [tilespmem:$0x0];
	_ =	sdelay $0x4  }
0x17: {  	v6 =	vshll.u32 v5, $0x1  }
0x18: {  	v5 =	vand.u32 $0x7, v5;
	v6 =	vand.u32 $0xFFFFFFF0, v6  }
0x19: {  	v5 =	vor.u32 v5, v6  }
0x1a: {  	v6 =	vperm.xlane v5, v0;
	_ =	sdelay $0x1  }
0x1b: {  	v5 =	vperm.xlane v5, v3;
	v6 =	vadd.s32 v1, v6;
	_ =	sdelay $0x1  }
0x1c: {  	v5 =	vadd.s32 v1, v5;
	_ =	sdelay $0x2  }
0x1d: {  	[tilespmem:s9], [sflag:$0x1] =	stream.indirect_vreg.gather [hbm4b:s1+s3], $0x80, v6, vm0, $0xb8;
	[tilespmem:$0x12180] =	vst v63  }
0x1e: {  	s23 =	simm.s32 $0x900  }
0x1f: {  	[tilespmem:s23], [sflag:$0x1] =	stream.indirect_vreg.gather [hbm4b:s1+s3], $0x80, v5, vm0, $0xb8;
	[tilespmem:$0x12180] =	vst v63  }
0x20: {  	v5 =	vld [tilespmem:$0x10];
	_ =	sdelay $0x4  }
0x21: {  	v6 =	vshll.u32 v5, $0x1  }
0x22: {  	v5 =	vand.u32 $0x7, v5;
	v6 =	vand.u32 $0xFFFFFFF0, v6  }
0x23: {  	v5 =	vor.u32 v5, v6  }
0x24: {  	v6 =	vperm.xlane v5, v0;
	_ =	sdelay $0x1  }
0x25: {  	v5 =	vperm.xlane v5, v3;
	v6 =	vadd.s32 v1, v6;
	_ =	sdelay $0x1  }
0x26: {  	v5 =	vadd.s32 v1, v5;
	_ =	sdelay $0x1  }
0x27: {  	s26 =	simm.s32 $0x1100  }
0x28: {  	[tilespmem:s26], [sflag:$0x1] =	stream.indirect_vreg.gather [hbm4b:s1+s3], $0x80, v6, vm0, $0xb8;
	[tilespmem:$0x12180] =	vst v63  }
0x29: {  	s24 =	simm.s32 $0x1900  }
0x2a: {  	[tilespmem:s24], [sflag:$0x1] =	stream.indirect_vreg.gather [hbm4b:s1+s3], $0x80, v5, vm0, $0xb8;
	[tilespmem:$0x12180] =	vst v63  }
0x2b: {  	v5 =	vld [tilespmem:$0x20];
	_ =	sdelay $0x4  }
0x2c: {  	v6 =	vshll.u32 v5, $0x1  }
0x2d: {  	v5 =	vand.u32 $0x7, v5;
	v6 =	vand.u32 $0xFFFFFFF0, v6  }
0x2e: {  	v5 =	vor.u32 v5, v6  }
0x2f: {  	v6 =	vperm.xlane v5, v0;
	_ =	sdelay $0x1  }
0x30: {  	v5 =	vperm.xlane v5, v3;
	v6 =	vadd.s32 v1, v6;
	_ =	sdelay $0x1  }
0x31: {  	v5 =	vadd.s32 v1, v5;
	_ =	sdelay $0x1  }
0x32: {  	s25 =	simm.s32 $0x2100  }
0x33: {  	[tilespmem:s25], [sflag:$0x1] =	stream.indirect_vreg.gather [hbm4b:s1+s3], $0x80, v6, vm0, $0xb8;
	[tilespmem:$0x12180] =	vst v63  }
0x34: {  	s26 =	simm.s32 $0x2900  }
0x35: {  	[tilespmem:s26], [sflag:$0x1] =	stream.indirect_vreg.gather [hbm4b:s1+s3], $0x80, v5, vm0, $0xb8;
	[tilespmem:$0x12180] =	vst v63  }
0x36: {  	v5 =	vld [tilespmem:$0x30];
	_ =	sdelay $0x4  }
0x37: {  	v6 =	vshll.u32 v5, $0x1  }
0x38: {  	v5 =	vand.u32 $0x7, v5;
	v6 =	vand.u32 $0xFFFFFFF0, v6  }
0x39: {  	v5 =	vor.u32 v5, v6  }
0x3a: {  	v6 =	vperm.xlane v5, v0;
	_ =	sdelay $0x1  }
0x3b: {  	v5 =	vperm.xlane v5, v3;
	v6 =	vadd.s32 v1, v6;
	_ =	sdelay $0x1  }
0x3c: {  	v5 =	vadd.s32 v1, v5;
	_ =	sdelay $0x1  }
0x3d: {  	s24 =	simm.s32 $0x3100  }
0x3e: {  	[tilespmem:s24], [sflag:$0x1] =	stream.indirect_vreg.gather [hbm4b:s1+s3], $0x80, v6, vm0, $0xb8;
	[tilespmem:$0x12180] =	vst v63  }
0x3f: {  	s25 =	simm.s32 $0x3900  }
0x40: {  	[tilespmem:s25], [sflag:$0x1] =	stream.indirect_vreg.gather [hbm4b:s1+s3], $0x80, v5, vm0, $0xb8;
	[tilespmem:$0x12180] =	vst v63  }
0x41: {  	v5 =	vld [tilespmem:$0x40];
	_ =	sdelay $0x4  }
0x42: {  	v6 =	vshll.u32 v5, $0x1  }
0x43: {  	v5 =	vand.u32 $0x7, v5;
	v6 =	vand.u32 $0xFFFFFFF0, v6  }
0x44: {  	v5 =	vor.u32 v5, v6  }
0x45: {  	v6 =	vperm.xlane v5, v0;
	_ =	sdelay $0x1  }
0x46: {  	v5 =	vperm.xlane v5, v3;
	v6 =	vadd.s32 v1, v6;
	_ =	sdelay $0x1  }
0x47: {  	v5 =	vadd.s32 v1, v5;
	_ =	sdelay $0x1  }
0x48: {  	s26 =	simm.s32 $0x4100  }
0x49: {  	[tilespmem:s26], [sflag:$0x1] =	stream.indirect_vreg.gather [hbm4b:s1+s3], $0x80, v6, vm0, $0xb8;
	[tilespmem:$0x12180] =	vst v63  }
0x4a: {  	s24 =	simm.s32 $0x4900  }
0x4b: {  	[tilespmem:s24], [sflag:$0x1] =	stream.indirect_vreg.gather [hbm4b:s1+s3], $0x80, v5, vm0, $0xb8;
	[tilespmem:$0x12180] =	vst v63  }
0x4c: {  	v5 =	vld [tilespmem:$0x50];
	_ =	sdelay $0x4  }
0x4d: {  	v6 =	vshll.u32 v5, $0x1  }
0x4e: {  	v5 =	vand.u32 $0x7, v5;
	v6 =	vand.u32 $0xFFFFFFF0, v6  }
0x4f: {  	v5 =	vor.u32 v5, v6  }
0x50: {  	v6 =	vperm.xlane v5, v0;
	_ =	sdelay $0x1  }
0x51: {  	v5 =	vperm.xlane v5, v3;
	v6 =	vadd.s32 v1, v6;
	_ =	sdelay $0x1  }
0x52: {  	v5 =	vadd.s32 v1, v5;
	_ =	sdelay $0x1  }
0x53: {  	s25 =	simm.s32 $0x5100  }
0x54: {  	[tilespmem:s25], [sflag:$0x1] =	stream.indirect_vreg.gather [hbm4b:s1+s3], $0x80, v6, vm0, $0xb8;
	[tilespmem:$0x12180] =	vst v63  }
0x55: {  	s26 =	simm.s32 $0x5900  }
0x56: {  	[tilespmem:s26], [sflag:$0x1] =	stream.indirect_vreg.gather [hbm4b:s1+s3], $0x80, v5, vm0, $0xb8;
	[tilespmem:$0x12180] =	vst v63  }
0x57: {  	v5 =	vld [tilespmem:$0x60];
	_ =	sdelay $0x4  }
0x58: {  	v6 =	vshll.u32 v5, $0x1  }
0x59: {  	v5 =	vand.u32 $0x7, v5;
	v6 =	vand.u32 $0xFFFFFFF0, v6  }
0x5a: {  	v5 =	vor.u32 v5, v6  }
0x5b: {  	v6 =	vperm.xlane v5, v0;
	_ =	sdelay $0x1  }
0x5c: {  	v5 =	vperm.xlane v5, v3;
	v6 =	vadd.s32 v1, v6;
	_ =	sdelay $0x1  }
0x5d: {  	v5 =	vadd.s32 v1, v5;
	_ =	sdelay $0x1  }
0x5e: {  	s24 =	simm.s32 $0x6100  }
0x5f: {  	[tilespmem:s24], [sflag:$0x1] =	stream.indirect_vreg.gather [hbm4b:s1+s3], $0x80, v6, vm0, $0xb8;
	[tilespmem:$0x12180] =	vst v63  }
0x60: {  	s25 =	simm.s32 $0x6900  }
0x61: {  	[tilespmem:s25], [sflag:$0x1] =	stream.indirect_vreg.gather [hbm4b:s1+s3], $0x80, v5, vm0, $0xb8;
	[tilespmem:$0x12180] =	vst v63  }
0x62: {  	v5 =	vld [tilespmem:$0x70];
	_ =	sdelay $0x4  }
0x63: {  	v6 =	vshll.u32 v5, $0x1  }
0x64: {  	v5 =	vand.u32 $0x7, v5;
	v6 =	vand.u32 $0xFFFFFFF0, v6  }
0x65: {  	v5 =	vor.u32 v5, v6  }
0x66: {  	v6 =	vperm.xlane v5, v0;
	_ =	sdelay $0x1  }
0x67: {  	v5 =	vperm.xlane v5, v3;
	v6 =	vadd.s32 v1, v6;
	_ =	sdelay $0x1  }
0x68: {  	v5 =	vadd.s32 v1, v5;
	_ =	sdelay $0x1  }
0x69: {  	s26 =	simm.s32 $0x7100  }
0x6a: {  	[tilespmem:s26], [sflag:$0x1] =	stream.indirect_vreg.gather [hbm4b:s1+s3], $0x80, v6, vm0, $0xb8;
	[tilespmem:$0x12180] =	vst v63  }
0x6b: {  	s24 =	simm.s32 $0x7900  }
0x6c: {  	[tilespmem:s24], [sflag:$0x1] =	stream.indirect_vreg.gather [hbm4b:s1+s3], $0x80, v5, vm0, $0xb8;
	[tilespmem:$0x12180] =	vst v63  }
0x6d: {  	v5 =	vld [tilespmem:$0x80];
	_ =	sdelay $0x4  }
0x6e: {  	v6 =	vshll.u32 v5, $0x1  }
0x6f: {  	v5 =	vand.u32 $0x7, v5;
	v6 =	vand.u32 $0xFFFFFFF0, v6  }
0x70: {  	v5 =	vor.u32 v5, v6  }
0x71: {  	v6 =	vperm.xlane v5, v0;
	_ =	sdelay $0x1  }
0x72: {  	v5 =	vperm.xlane v5, v3;
	v6 =	vadd.s32 v1, v6;
	_ =	sdelay $0x1  }
0x73: {  	v5 =	vadd.s32 v1, v5;
	_ =	sdelay $0x1  }
0x74: {  	s25 =	simm.s32 $0x8100  }
0x75: {  	[tilespmem:s25], [sflag:$0x1] =	stream.indirect_vreg.gather [hbm4b:s1+s3], $0x80, v6, vm0, $0xb8;
	[tilespmem:$0x12180] =	vst v63  }
0x76: {  	s26 =	simm.s32 $0x8900  }
0x77: {  	[tilespmem:s26], [sflag:$0x1] =	stream.indirect_vreg.gather [hbm4b:s1+s3], $0x80, v5, vm0, $0xb8;
	[tilespmem:$0x12180] =	vst v63  }
0x78: {  	v5 =	vld [tilespmem:$0x90];
	_ =	sdelay $0x4  }
0x79: {  	v6 =	vshll.u32 v5, $0x1  }
0x7a: {  	v5 =	vand.u32 $0x7, v5;
	v6 =	vand.u32 $0xFFFFFFF0, v6  }
0x7b: {  	v5 =	vor.u32 v5, v6  }
0x7c: {  	v6 =	vperm.xlane v5, v0;
	_ =	sdelay $0x1  }
0x7d: {  	v5 =	vperm.xlane v5, v3;
	v6 =	vadd.s32 v1, v6;
	_ =	sdelay $0x1  }
0x7e: {  	v5 =	vadd.s32 v1, v5;
	_ =	sdelay $0x2  }
0x7f: {  	[tilespmem:s28], [sflag:$0x1] =	stream.indirect_vreg.gather [hbm4b:s1+s3], $0x80, v6, vm0, $0xb8;
	[tilespmem:$0x12180] =	vst v63  }
0x80: {  	_ = 	snop  }
0x81: {  	[tilespmem:s29], [sflag:$0x1] =	stream.indirect_vreg.gather [hbm4b:s1+s3], $0x80, v5, vm0, $0xb8;
	[tilespmem:$0x12180] =	vst v63  }
0x82: {  	v5 =	vld [tilespmem:$0xA0];
	_ =	sdelay $0x4  }
0x83: {  	v6 =	vshll.u32 v5, $0x1  }
0x84: {  	v5 =	vand.u32 $0x7, v5;
	v6 =	vand.u32 $0xFFFFFFF0, v6  }
0x85: {  	v5 =	vor.u32 v5, v6  }
0x86: {  	v6 =	vperm.xlane v5, v0;
	_ =	sdelay $0x1  }
0x87: {  	v5 =	vperm.xlane v5, v3;
	v6 =	vadd.s32 v1, v6;
	_ =	sdelay $0x1  }
0x88: {  	v5 =	vadd.s32 v1, v5;
	_ =	sdelay $0x2  }
0x89: {  	[tilespmem:s30], [sflag:$0x1] =	stream.indirect_vreg.gather [hbm4b:s1+s3], $0x80, v6, vm0, $0xb8;
	[tilespmem:$0x12180] =	vst v63  }
0x8a: {  	_ = 	snop  }
0x8b: {  	[tilespmem:s31], [sflag:$0x1] =	stream.indirect_vreg.gather [hbm4b:s1+s3], $0x80, v5, vm0, $0xb8;
	[tilespmem:$0x12180] =	vst v63  }
0x8c: {  	v5 =	vld [tilespmem:$0xB0];
	_ =	sdelay $0x4  }
0x8d: {  	v6 =	vshll.u32 v5, $0x1  }
0x8e: {  	v5 =	vand.u32 $0x7, v5;
	v6 =	vand.u32 $0xFFFFFFF0, v6  }
0x8f: {  	v5 =	vor.u32 v5, v6  }
0x90: {  	v6 =	vperm.xlane v5, v0;
	_ =	sdelay $0x1  }
0x91: {  	v5 =	vperm.xlane v5, v3;
	v6 =	vadd.s32 v1, v6;
	_ =	sdelay $0x1  }
0x92: {  	v5 =	vadd.s32 v1, v5;
	_ =	sdelay $0x2  }
0x93: {  	[tilespmem:s2], [sflag:$0x1] =	stream.indirect_vreg.gather [hbm4b:s1+s3], $0x80, v6, vm0, $0xb8;
	[tilespmem:$0x12180] =	vst v63  }
0x94: {  	_ = 	snop  }
0x95: {  	[tilespmem:s0], [sflag:$0x1] =	stream.indirect_vreg.gather [hbm4b:s1+s3], $0x80, v5, vm0, $0xb8;
	[tilespmem:$0x12180] =	vst v63  }
0x96: {  	v5 =	vld [tilespmem:$0xC0];
	_ =	sdelay $0x4  }
0x97: {  	v6 =	vshll.u32 v5, $0x1  }
0x98: {  	v5 =	vand.u32 $0x7, v5;
	v6 =	vand.u32 $0xFFFFFFF0, v6  }
0x99: {  	v5 =	vor.u32 v5, v6  }
0x9a: {  	v6 =	vperm.xlane v5, v0;
	_ =	sdelay $0x1  }
0x9b: {  	v5 =	vperm.xlane v5, v3;
	v6 =	vadd.s32 v1, v6;
	_ =	sdelay $0x1  }
0x9c: {  	v5 =	vadd.s32 v1, v5;
	_ =	sdelay $0x2  }
0x9d: {  	[tilespmem:s10], [sflag:$0x1] =	stream.indirect_vreg.gather [hbm4b:s1+s3], $0x80, v6, vm0, $0xb8;
	[tilespmem:$0x12180] =	vst v63  }
0x9e: {  	_ = 	snop  }
0x9f: {  	[tilespmem:s11], [sflag:$0x1] =	stream.indirect_vreg.gather [hbm4b:s1+s3], $0x80, v5, vm0, $0xb8;
	[tilespmem:$0x12180] =	vst v63  }
0xa0: {  	v5 =	vld [tilespmem:$0xD0];
	_ =	sdelay $0x4  }
0xa1: {  	v6 =	vshll.u32 v5, $0x1  }
0xa2: {  	v5 =	vand.u32 $0x7, v5;
	v6 =	vand.u32 $0xFFFFFFF0, v6  }
0xa3: {  	v5 =	vor.u32 v5, v6  }
0xa4: {  	v6 =	vperm.xlane v5, v0;
	_ =	sdelay $0x1  }
0xa5: {  	v5 =	vperm.xlane v5, v3;
	v6 =	vadd.s32 v1, v6;
	_ =	sdelay $0x1  }
0xa6: {  	v5 =	vadd.s32 v1, v5;
	_ =	sdelay $0x2  }
0xa7: {  	[tilespmem:s12], [sflag:$0x1] =	stream.indirect_vreg.gather [hbm4b:s1+s3], $0x80, v6, vm0, $0xb8;
	[tilespmem:$0x12180] =	vst v63  }
0xa8: {  	_ = 	snop  }
0xa9: {  	[tilespmem:s13], [sflag:$0x1] =	stream.indirect_vreg.gather [hbm4b:s1+s3], $0x80, v5, vm0, $0xb8;
	[tilespmem:$0x12180] =	vst v63  }
0xaa: {  	v5 =	vld [tilespmem:$0xE0];
	_ =	sdelay $0x4  }
0xab: {  	v6 =	vshll.u32 v5, $0x1  }
0xac: {  	v5 =	vand.u32 $0x7, v5;
	v6 =	vand.u32 $0xFFFFFFF0, v6  }
0xad: {  	v5 =	vor.u32 v5, v6  }
0xae: {  	v6 =	vperm.xlane v5, v0;
	_ =	sdelay $0x1  }
0xaf: {  	v5 =	vperm.xlane v5, v3;
	v6 =	vadd.s32 v1, v6;
	_ =	sdelay $0x1  }
0xb0: {  	v5 =	vadd.s32 v1, v5;
	_ =	sdelay $0x2  }
0xb1: {  	[tilespmem:s14], [sflag:$0x1] =	stream.indirect_vreg.gather [hbm4b:s1+s3], $0x80, v6, vm0, $0xb8;
	[tilespmem:$0x12180] =	vst v63  }
0xb2: {  	_ = 	snop  }
0xb3: {  	[tilespmem:s15], [sflag:$0x1] =	stream.indirect_vreg.gather [hbm4b:s1+s3], $0x80, v5, vm0, $0xb8;
	[tilespmem:$0x12180] =	vst v63  }
0xb4: {  	v5 =	vld [tilespmem:$0xF0];
	_ =	sdelay $0x4  }
0xb5: {  	v6 =	vshll.u32 v5, $0x1  }
0xb6: {  	v5 =	vand.u32 $0x7, v5;
	v6 =	vand.u32 $0xFFFFFFF0, v6  }
0xb7: {  	v5 =	vor.u32 v5, v6  }
0xb8: {  	v6 =	vperm.xlane v5, v0;
	_ =	sdelay $0x1  }
0xb9: {  	v5 =	vperm.xlane v5, v3;
	v6 =	vadd.s32 v1, v6;
	_ =	sdelay $0x1  }
0xba: {  	v5 =	vadd.s32 v1, v5;
	_ =	sdelay $0x2  }
0xbb: {  	[tilespmem:s16], [sflag:$0x1] =	stream.indirect_vreg.gather [hbm4b:s1+s3], $0x80, v6, vm0, $0xb8;
	[tilespmem:$0x12180] =	vst v63  }
0xbc: {  	_ = 	snop  }
0xbd: {  	[tilespmem:s17], [sflag:$0x1] =	stream.indirect_vreg.gather [hbm4b:s1+s3], $0x80, v5, vm0, $0xb8;
	[tilespmem:$0x12180] =	vst v63  }
0xbe: {  	_ =	swait.ge [sflag:s18], $0x10000  }
0xbf: {  	[sflag:s18] =	ssyncset.done $0x0  }
0xc0: {  	[sflag:s18] =	ssyncadd.s32 $0xFFFF0000  }
0xc1: {  	[hbm4b:s5+s3] =	stream.linear.scatter [tilespmem:s9], [sflag:$0x2], $0x10000, $0x38;
	[tilespmem:$0x12180] =	vst v63  }
0xc2: {  	_ =	swait.ge [sflag:s8], $0x10000  }
0xc3: {  	[sflag:s8] =	ssyncset.done $0x0  }
0xc4: {  	s23 =	simm.s32 $0x0;
	[sflag:s8] =	ssyncadd.s32 $0xFFFF0000  }
.LBB2_2:
0xc5: {  	p0 =	sne.s32 s23, $0x8000  }
.Ltmp0:
0xc6: {  	_ = 	snop;
	(pc) =	sbr.rel @p0 .LBB2_2-.Ltmp0, $3  }
0xc7: {  	_ =	sdelay $0x1  }
0xc8: {  	s24 =	sshra.s32 s23, $0x2  }
0xc9: {  	s23 =	sadd.s32 $0x40, s23;
	[tilespmem:s24+$0x10100] =	vst v2  }
0xca: {  	s23 =	simm.s32 $0x0  }
0xcb: {  	v5 =	vld [tilespmem:s23+$0x0];
	_ =	sdelay $0x4  }
0xcc: {  	v5 =	vadd.s32 $0x10100, v5  }
0xcd: {  	(v2sf) =	vpush v5, $0x0;
	_ =	sdelay $0x7  }
0xce: {  	(v2sf) =	vpush v5, $0x1;
	_ =	sdelay $0x6  }
0xcf: {  	s24 =	spop (v2sf)  }
0xd0: {  	(v2sf) =	vpush v5, $0x2;
	v6 =	vld [tilespmem:s24+$0x0];
	_ =	sdelay $0x4  }
0xd1: {  	v6 =	vadd.f32 v4, v6;
	_ =	sdelay $0x1  }
0xd2: {  	s25 =	spop (v2sf);
	[tilespmem:s24+$0x0] =	vst v6  }
0xd3: {  	(v2sf) =	vpush v5, $0x3;
	v6 =	vld [tilespmem:s25+$0x0];
	_ =	sdelay $0x4  }
0xd4: {  	v6 =	vadd.f32 v4, v6;
	_ =	sdelay $0x1  }
0xd5: {  	s26 =	spop (v2sf);
	[tilespmem:s25+$0x0] =	vst v6  }
0xd6: {  	(v2sf) =	vpush v5, $0x4;
	v6 =	vld [tilespmem:s26+$0x0];
	_ =	sdelay $0x4  }
0xd7: {  	v6 =	vadd.f32 v4, v6;
	_ =	sdelay $0x1  }
0xd8: {  	s24 =	spop (v2sf);
	[tilespmem:s26+$0x0] =	vst v6  }
0xd9: {  	(v2sf) =	vpush v5, $0x5;
	v6 =	vld [tilespmem:s24+$0x0];
	_ =	sdelay $0x4  }
0xda: {  	v6 =	vadd.f32 v4, v6;
	_ =	sdelay $0x1  }
0xdb: {  	s25 =	spop (v2sf);
	[tilespmem:s24+$0x0] =	vst v6  }
0xdc: {  	(v2sf) =	vpush v5, $0x6;
	v6 =	vld [tilespmem:s25+$0x0];
	_ =	sdelay $0x4  }
0xdd: {  	v6 =	vadd.f32 v4, v6;
	_ =	sdelay $0x1  }
0xde: {  	s26 =	spop (v2sf);
	[tilespmem:s25+$0x0] =	vst v6  }
0xdf: {  	(v2sf) =	vpush v5, $0x7;
	v6 =	vld [tilespmem:s26+$0x0];
	_ =	sdelay $0x4  }
0xe0: {  	v6 =	vadd.f32 v4, v6;
	_ =	sdelay $0x1  }
0xe1: {  	s24 =	spop (v2sf);
	[tilespmem:s26+$0x0] =	vst v6  }
0xe2: {  	(v2sf) =	vpush v5, $0x8;
	v6 =	vld [tilespmem:s24+$0x0];
	_ =	sdelay $0x4  }
0xe3: {  	v6 =	vadd.f32 v4, v6;
	_ =	sdelay $0x1  }
0xe4: {  	s25 =	spop (v2sf);
	[tilespmem:s24+$0x0] =	vst v6  }
0xe5: {  	(v2sf) =	vpush v5, $0x9;
	v6 =	vld [tilespmem:s25+$0x0];
	_ =	sdelay $0x4  }
0xe6: {  	v6 =	vadd.f32 v4, v6;
	_ =	sdelay $0x1  }
0xe7: {  	s26 =	spop (v2sf);
	[tilespmem:s25+$0x0] =	vst v6  }
0xe8: {  	(v2sf) =	vpush v5, $0xA;
	v6 =	vld [tilespmem:s26+$0x0];
	_ =	sdelay $0x4  }
0xe9: {  	v6 =	vadd.f32 v4, v6;
	_ =	sdelay $0x1  }
0xea: {  	s24 =	spop (v2sf);
	[tilespmem:s26+$0x0] =	vst v6  }
0xeb: {  	(v2sf) =	vpush v5, $0xB;
	v6 =	vld [tilespmem:s24+$0x0];
	_ =	sdelay $0x4  }
0xec: {  	v6 =	vadd.f32 v4, v6;
	_ =	sdelay $0x1  }
0xed: {  	s25 =	spop (v2sf);
	[tilespmem:s24+$0x0] =	vst v6  }
0xee: {  	(v2sf) =	vpush v5, $0xC;
	v6 =	vld [tilespmem:s25+$0x0];
	_ =	sdelay $0x4  }
0xef: {  	v6 =	vadd.f32 v4, v6;
	_ =	sdelay $0x1  }
0xf0: {  	s26 =	spop (v2sf);
	[tilespmem:s25+$0x0] =	vst v6  }
0xf1: {  	(v2sf) =	vpush v5, $0xD;
	v6 =	vld [tilespmem:s26+$0x0];
	_ =	sdelay $0x4  }
0xf2: {  	v6 =	vadd.f32 v4, v6;
	_ =	sdelay $0x1  }
0xf3: {  	s24 =	spop (v2sf);
	[tilespmem:s26+$0x0] =	vst v6  }
0xf4: {  	(v2sf) =	vpush v5, $0xE;
	v6 =	vld [tilespmem:s24+$0x0];
	_ =	sdelay $0x4  }
0xf5: {  	v6 =	vadd.f32 v4, v6;
	_ =	sdelay $0x1  }
0xf6: {  	s25 =	spop (v2sf);
	[tilespmem:s24+$0x0] =	vst v6  }
0xf7: {  	(v2sf) =	vpush v5, $0xF;
	v6 =	vld [tilespmem:s25+$0x0];
	_ =	sdelay $0x4  }
0xf8: {  	v5 =	vadd.f32 v4, v6;
	_ =	sdelay $0x1  }
0xf9: {  	s26 =	spop (v2sf);
	[tilespmem:s25+$0x0] =	vst v5  }
0xfa: {  	v5 =	vld [tilespmem:s26+$0x0];
	_ =	sdelay $0x4  }
0xfb: {  	v5 =	vadd.f32 v4, v5;
	_ =	sdelay $0x1  }
0xfc: {  	s25 =	spop (v2sf);
	[tilespmem:s26+$0x0] =	vst v5  }
0xfd: {  	v5 =	vld [tilespmem:s25+$0x0];
	_ =	sdelay $0x4  }
0xfe: {  	s23 =	simm.s32 $0x40;
	s24 =	simm.s32 $0x80;
	v5 =	vadd.f32 v4, v5  }
.LBB2_4:
0xff: {  	p0 =	sne.s32 s24, $0x3C0  }
0x100: {  	s26 =	sshra.s32 s23, $0x2;
	s23 =	smov.u32 s24;
	s24 =	sadd.s32 $0x40, s24;
	[tilespmem:s25+$0x0] =	vst v5  }
0x101: {  	v5 =	vld [tilespmem:s26+$0x0];
	_ =	sdelay $0x4  }
0x102: {  	v5 =	vadd.s32 $0x10100, v5  }
0x103: {  	(v2sf) =	vpush v5, $0x0;
	_ =	sdelay $0x7  }
0x104: {  	(v2sf) =	vpush v5, $0x1;
	_ =	sdelay $0x6  }
0x105: {  	s25 =	spop (v2sf)  }
0x106: {  	v6 =	vld [tilespmem:s25+$0x0];
	(v2sf) =	vpush v5, $0x2;
	_ =	sdelay $0x4  }
0x107: {  	v6 =	vadd.f32 v4, v6;
	_ =	sdelay $0x1  }
0x108: {  	[tilespmem:s25+$0x0] =	vst v6;
	s25 =	spop (v2sf)  }
0x109: {  	v6 =	vld [tilespmem:s25+$0x0];
	(v2sf) =	vpush v5, $0x3;
	_ =	sdelay $0x4  }
0x10a: {  	v6 =	vadd.f32 v4, v6;
	_ =	sdelay $0x1  }
0x10b: {  	[tilespmem:s25+$0x0] =	vst v6;
	s25 =	spop (v2sf)  }
0x10c: {  	v6 =	vld [tilespmem:s25+$0x0];
	(v2sf) =	vpush v5, $0x4;
	_ =	sdelay $0x4  }
0x10d: {  	v6 =	vadd.f32 v4, v6;
	_ =	sdelay $0x1  }
0x10e: {  	[tilespmem:s25+$0x0] =	vst v6;
	s25 =	spop (v2sf)  }
0x10f: {  	v6 =	vld [tilespmem:s25+$0x0];
	(v2sf) =	vpush v5, $0x5;
	_ =	sdelay $0x4  }
0x110: {  	v6 =	vadd.f32 v4, v6;
	_ =	sdelay $0x1  }
0x111: {  	[tilespmem:s25+$0x0] =	vst v6;
	s25 =	spop (v2sf)  }
0x112: {  	v6 =	vld [tilespmem:s25+$0x0];
	(v2sf) =	vpush v5, $0x6;
	_ =	sdelay $0x4  }
0x113: {  	v6 =	vadd.f32 v4, v6;
	_ =	sdelay $0x1  }
0x114: {  	[tilespmem:s25+$0x0] =	vst v6;
	s25 =	spop (v2sf)  }
0x115: {  	v6 =	vld [tilespmem:s25+$0x0];
	(v2sf) =	vpush v5, $0x7;
	_ =	sdelay $0x4  }
0x116: {  	v6 =	vadd.f32 v4, v6;
	_ =	sdelay $0x1  }
0x117: {  	[tilespmem:s25+$0x0] =	vst v6;
	s25 =	spop (v2sf)  }
0x118: {  	v6 =	vld [tilespmem:s25+$0x0];
	(v2sf) =	vpush v5, $0x8;
	_ =	sdelay $0x4  }
0x119: {  	v6 =	vadd.f32 v4, v6;
	_ =	sdelay $0x1  }
0x11a: {  	[tilespmem:s25+$0x0] =	vst v6;
	s25 =	spop (v2sf)  }
0x11b: {  	v6 =	vld [tilespmem:s25+$0x0];
	(v2sf) =	vpush v5, $0x9;
	_ =	sdelay $0x4  }
0x11c: {  	v6 =	vadd.f32 v4, v6;
	_ =	sdelay $0x1  }
0x11d: {  	[tilespmem:s25+$0x0] =	vst v6;
	s25 =	spop (v2sf)  }
0x11e: {  	v6 =	vld [tilespmem:s25+$0x0];
	(v2sf) =	vpush v5, $0xA;
	_ =	sdelay $0x4  }
0x11f: {  	v6 =	vadd.f32 v4, v6;
	_ =	sdelay $0x1  }
0x120: {  	[tilespmem:s25+$0x0] =	vst v6;
	s25 =	spop (v2sf)  }
0x121: {  	v6 =	vld [tilespmem:s25+$0x0];
	(v2sf) =	vpush v5, $0xB;
	_ =	sdelay $0x4  }
0x122: {  	v6 =	vadd.f32 v4, v6;
	_ =	sdelay $0x1  }
0x123: {  	[tilespmem:s25+$0x0] =	vst v6;
	s25 =	spop (v2sf)  }
0x124: {  	v6 =	vld [tilespmem:s25+$0x0];
	(v2sf) =	vpush v5, $0xC;
	_ =	sdelay $0x4  }
0x125: {  	v6 =	vadd.f32 v4, v6;
	_ =	sdelay $0x1  }
0x126: {  	[tilespmem:s25+$0x0] =	vst v6;
	s25 =	spop (v2sf)  }
0x127: {  	v6 =	vld [tilespmem:s25+$0x0];
	(v2sf) =	vpush v5, $0xD;
	_ =	sdelay $0x4  }
0x128: {  	v6 =	vadd.f32 v4, v6;
	_ =	sdelay $0x1  }
0x129: {  	[tilespmem:s25+$0x0] =	vst v6;
	s25 =	spop (v2sf)  }
0x12a: {  	v6 =	vld [tilespmem:s25+$0x0];
	(v2sf) =	vpush v5, $0xE;
	_ =	sdelay $0x4  }
0x12b: {  	v6 =	vadd.f32 v4, v6;
	_ =	sdelay $0x1  }
0x12c: {  	[tilespmem:s25+$0x0] =	vst v6;
	s25 =	spop (v2sf)  }
0x12d: {  	v6 =	vld [tilespmem:s25+$0x0];
	(v2sf) =	vpush v5, $0xF;
	_ =	sdelay $0x4  }
0x12e: {  	v5 =	vadd.f32 v4, v6;
	_ =	sdelay $0x1  }
0x12f: {  	[tilespmem:s25+$0x0] =	vst v5;
	s25 =	spop (v2sf)  }
0x130: {  	v5 =	vld [tilespmem:s25+$0x0];
	_ =	sdelay $0x4  }
0x131: {  	v5 =	vadd.f32 v4, v5;
	_ =	sdelay $0x1  }
0x132: {  	[tilespmem:s25+$0x0] =	vst v5;
	s25 =	spop (v2sf)  }
0x133: {  	v5 =	vld [tilespmem:s25+$0x0]  }
.Ltmp1:
0x134: {  	(pc) =	sbr.rel @p0 .LBB2_4-.Ltmp1, $2  }
0x135: {  	_ =	sdelay $0x2  }
0x136: {  	v5 =	vadd.f32 v4, v5  }
0x137: {  	_ = 	snop  }
0x138: {  	s23 =	sshra.s32 s23, $0x2;
	[tilespmem:s25+$0x0] =	vst v5  }
0x139: {  	v5 =	vld [tilespmem:s23+$0x0];
	_ =	sdelay $0x4  }
0x13a: {  	v5 =	vadd.s32 $0x10100, v5  }
0x13b: {  	(v2sf) =	vpush v5, $0x0;
	_ =	sdelay $0x7  }
0x13c: {  	(v2sf) =	vpush v5, $0x1;
	_ =	sdelay $0x6  }
0x13d: {  	s26 =	spop (v2sf)  }
0x13e: {  	(v2sf) =	vpush v5, $0x2;
	v6 =	vld [tilespmem:s26+$0x0];
	_ =	sdelay $0x4  }
0x13f: {  	v6 =	vadd.f32 v4, v6;
	_ =	sdelay $0x1  }
0x140: {  	s24 =	spop (v2sf);
	[tilespmem:s26+$0x0] =	vst v6  }
0x141: {  	(v2sf) =	vpush v5, $0x3;
	v6 =	vld [tilespmem:s24+$0x0];
	_ =	sdelay $0x4  }
0x142: {  	v6 =	vadd.f32 v4, v6;
	_ =	sdelay $0x1  }
0x143: {  	s25 =	spop (v2sf);
	[tilespmem:s24+$0x0] =	vst v6  }
0x144: {  	(v2sf) =	vpush v5, $0x4;
	v6 =	vld [tilespmem:s25+$0x0];
	_ =	sdelay $0x4  }
0x145: {  	v6 =	vadd.f32 v4, v6;
	_ =	sdelay $0x1  }
0x146: {  	s26 =	spop (v2sf);
	[tilespmem:s25+$0x0] =	vst v6  }
0x147: {  	(v2sf) =	vpush v5, $0x5;
	v6 =	vld [tilespmem:s26+$0x0];
	_ =	sdelay $0x4  }
0x148: {  	v6 =	vadd.f32 v4, v6;
	_ =	sdelay $0x1  }
0x149: {  	s24 =	spop (v2sf);
	[tilespmem:s26+$0x0] =	vst v6  }
0x14a: {  	(v2sf) =	vpush v5, $0x6;
	v6 =	vld [tilespmem:s24+$0x0];
	_ =	sdelay $0x4  }
0x14b: {  	v6 =	vadd.f32 v4, v6;
	_ =	sdelay $0x1  }
0x14c: {  	s25 =	spop (v2sf);
	[tilespmem:s24+$0x0] =	vst v6  }
0x14d: {  	(v2sf) =	vpush v5, $0x7;
	v6 =	vld [tilespmem:s25+$0x0];
	_ =	sdelay $0x4  }
0x14e: {  	v6 =	vadd.f32 v4, v6;
	_ =	sdelay $0x1  }
0x14f: {  	s26 =	spop (v2sf);
	[tilespmem:s25+$0x0] =	vst v6  }
0x150: {  	(v2sf) =	vpush v5, $0x8;
	v6 =	vld [tilespmem:s26+$0x0];
	_ =	sdelay $0x4  }
0x151: {  	v6 =	vadd.f32 v4, v6;
	_ =	sdelay $0x1  }
0x152: {  	s24 =	spop (v2sf);
	[tilespmem:s26+$0x0] =	vst v6  }
0x153: {  	(v2sf) =	vpush v5, $0x9;
	v6 =	vld [tilespmem:s24+$0x0];
	_ =	sdelay $0x4  }
0x154: {  	v6 =	vadd.f32 v4, v6;
	_ =	sdelay $0x1  }
0x155: {  	s25 =	spop (v2sf);
	[tilespmem:s24+$0x0] =	vst v6  }
0x156: {  	(v2sf) =	vpush v5, $0xA;
	v6 =	vld [tilespmem:s25+$0x0];
	_ =	sdelay $0x4  }
0x157: {  	v6 =	vadd.f32 v4, v6;
	_ =	sdelay $0x1  }
0x158: {  	s26 =	spop (v2sf);
	[tilespmem:s25+$0x0] =	vst v6  }
0x159: {  	(v2sf) =	vpush v5, $0xB;
	v6 =	vld [tilespmem:s26+$0x0];
	_ =	sdelay $0x4  }
0x15a: {  	v6 =	vadd.f32 v4, v6;
	_ =	sdelay $0x1  }
0x15b: {  	s24 =	spop (v2sf);
	[tilespmem:s26+$0x0] =	vst v6  }
0x15c: {  	(v2sf) =	vpush v5, $0xC;
	v6 =	vld [tilespmem:s24+$0x0];
	_ =	sdelay $0x4  }
0x15d: {  	v6 =	vadd.f32 v4, v6;
	_ =	sdelay $0x1  }
0x15e: {  	s25 =	spop (v2sf);
	[tilespmem:s24+$0x0] =	vst v6  }
0x15f: {  	(v2sf) =	vpush v5, $0xD;
	v6 =	vld [tilespmem:s25+$0x0];
	_ =	sdelay $0x4  }
0x160: {  	v6 =	vadd.f32 v4, v6;
	_ =	sdelay $0x1  }
0x161: {  	s26 =	spop (v2sf);
	[tilespmem:s25+$0x0] =	vst v6  }
0x162: {  	(v2sf) =	vpush v5, $0xE;
	v6 =	vld [tilespmem:s26+$0x0];
	_ =	sdelay $0x4  }
0x163: {  	v6 =	vadd.f32 v4, v6;
	_ =	sdelay $0x1  }
0x164: {  	s24 =	spop (v2sf);
	[tilespmem:s26+$0x0] =	vst v6  }
0x165: {  	(v2sf) =	vpush v5, $0xF;
	v6 =	vld [tilespmem:s24+$0x0];
	_ =	sdelay $0x4  }
0x166: {  	v5 =	vadd.f32 v4, v6;
	_ =	sdelay $0x1  }
0x167: {  	s25 =	spop (v2sf);
	[tilespmem:s24+$0x0] =	vst v5  }
0x168: {  	v5 =	vld [tilespmem:s25+$0x0];
	_ =	sdelay $0x4  }
0x169: {  	v5 =	vadd.f32 v4, v5;
	_ =	sdelay $0x1  }
0x16a: {  	s26 =	spop (v2sf);
	[tilespmem:s25+$0x0] =	vst v5  }
0x16b: {  	v5 =	vld [tilespmem:s26+$0x0];
	_ =	sdelay $0x4  }
0x16c: {  	s22 =	sadd.s32 $0x1, s22;
	v5 =	vadd.f32 v4, v5  }
0x16d: {  	p0 =	sne.s32 s22, s7  }
.Ltmp2:
0x16e: {  	[tilespmem:s26+$0x0] =	vst v5;
	(pc) =	sbr.rel @p0 .LBB2_1-.Ltmp2, $4  }
0x16f: {  	[hbm4b:s6+s19] =	stream.strided.scatter [tilespmem:s21], [sflag:$0x2], $0x2000, s20, s19, $0x38;
	[tilespmem:$0x12180] =	vst v63  }
0x170: {  	_ =	swait.ge [sflag:s8], $0x2000  }
0x171: {  	[sflag:s8] =	ssyncset.done $0x0  }
0x172: {  	[sflag:s8] =	ssyncadd.s32 $0xFFFFE000  }
0x173: {  	_ =	sfence.sel $0x180000  }
0x174: {  	[bflag:$0x0] =	sbarrier.arrive $0xFFFF  }
0x175: {  	_ =	strace $0x90000047  }
0x176: {  	s0 =	stileid.u32;
	[bflag:$0x2] =	sbarrier.arrive $0xFFFF  }
0x177: {  	p0 =	sne.s32 s0, $0x0;
	s0 =	rddreg [dreg:$0x4]  }
0x178: {  	s0 =	sadd.s32 @!p0 $0x100000, s0  }
0x179: {  	[sflag:s0] =	ssyncadd.tile.s32 @!p0 $0x1;
	_ =	shalt  }
.Lfunc_end2:
_tile_overlayer_lowered:
.L_overlay_start_2:
0x17a: {  	(tag) =	ssettag $0x2  }
0x17b: {  	s0 =	rddreg [dreg:$0x0];
	s2 =	stileid.u32  }
0x17c: {  	s1 =	rddreg [dreg:$0x1];
	p0 =	sne.s32 s2, $0x0  }
0x17d: {  	s3 =	rddreg [dreg:$0x2];
	[bflag:$0x3] =	sbarrier.arrive $0xFFFF;
	s2 =	simm.s32 @!p0 $0x1C02  }
0x17e: {  	[timem:s3], [sflag:s2] =	dma.local @!p0 [hbm:s0], s1  }
0x17f: {  	s0 =	simm.s32 @!p0 $0x2  }
0x180: {  	_ =	swait.ge @!p0 [sflag:s0], s1  }
0x181: {  	s1 =	ssub.s32 @!p0 $0x0, s1;
	[sflag:s0] =	ssyncset.done @!p0 $0x0  }
0x182: {  	[sflag:s0] =	ssyncadd.s32 @!p0 s1  }
0x183: {  	[bflag:$0x3] =	sbarrier.arrive $0xFFFF  }
0x184: {  	_ =	shalt  }

</sc_bundles>
